<compile_context>
chip_gen: v7x
topology: tpu7x:2x2x1
jax: 0.10.2.dev20260603
libtpu: 0.0.44.dev20260713+nightly
codegen_flags: <defaults>
</compile_context>

<pallas_src>
import functools

import jax
import jax.numpy as jnp
from jax import lax
from jax.experimental import pallas as pl
from jax.experimental.pallas import tpu as pltpu
from jax.experimental.pallas import tpu_sc as plsc

N_NODES = 10000
N_PAIRS = 320000
HIDDEN = 128
VOCAB = 22
N_CYCLES = 10000

STRIPE = 2560
HSIZE = STRIPE * 128
NC, NS = 2, 16
CHUNK = N_PAIRS // (NC * NS)
ROWS = CHUNK // 16
HTILE = HSIZE // NS
ZCH = 4096
SLAB = 10240
SCCH = 2000
WCH = 5120


def _sc_hist_body(atc_hbm, x_hbm, c_hbm,
                  x_v, atc_v, idx_a, idx_b, ones_v, zero_v, wb_v, hist_sh,
                  in_sem, z_sem, s_sem):
    cid = lax.axis_index("c")
    s = lax.axis_index("s")
    w = cid * NS + s
    base = w * CHUNK

    start = jnp.minimum(base - base % 128, N_PAIRS - SLAB)
    start = pl.multiple_of(start, 128)
    off = base - start
    cp_x = pltpu.async_copy(x_hbm, x_v, in_sem)
    cp_a = pltpu.async_copy(atc_hbm.at[:, pl.ds(start, SLAB)], atc_v, in_sem)

    @plsc.parallel_loop(0, ZCH, step=16, unroll=4)
    def zloop(i):
        zero_v[pl.ds(i, 16)] = jnp.zeros((16,), jnp.float32)
    zcps = [
        pltpu.async_copy(zero_v, hist_sh.at[pl.ds(s * HTILE + j * ZCH, ZCH)],
                         z_sem)
        for j in range(HTILE // ZCH)
    ]

    ones16 = jnp.ones((16,), jnp.float32)
    @plsc.parallel_loop(0, SCCH, step=16, unroll=4)
    def oloop(i):
        ones_v[pl.ds(i, 16)] = ones16

    cp_x.wait()
    cp_a.wait()

    idx_bufs = (idx_a, idx_b)

    def build(j, buf):
        @plsc.parallel_loop(0, SCCH, step=16, unroll=2)
        def iloop(i):
            a0_16 = atc_v[0, pl.ds(off + j * SCCH + i, 16)]
            v16 = plsc.load_gather(x_v, [a0_16])
            c16 = atc_v[1, pl.ds(off + j * SCCH + i, 16)]
            g16 = (c16 * 26215) >> 26
            r16 = c16 - ((g16 << 11) + (g16 << 9))
            buf[pl.ds(i, 16)] = (r16 << 7) | (g16 << 5) | v16

    build(0, idx_bufs[0])
    for cp in zcps:
        cp.wait()
    plsc.subcore_barrier()
    scps = []
    nchunks = CHUNK // SCCH
    for j in range(nchunks):
        scps.append(pltpu.async_copy(
            ones_v, hist_sh.at[idx_bufs[j % 2]], s_sem, add=True))
        if j + 1 < nchunks:
            if j >= 1:
                scps[j - 1].wait()
            build(j + 1, idx_bufs[(j + 1) % 2])
    scps[nchunks - 2].wait()
    scps[nchunks - 1].wait()
    plsc.subcore_barrier()

    wcps = []
    for k in range(HTILE // WCH):
        pltpu.async_copy(
            hist_sh.at[pl.ds(s * HTILE + k * WCH, WCH)],
            wb_v.at[pl.ds(k * WCH, WCH)], z_sem).wait()
        wcps.append(pltpu.async_copy(
            wb_v.at[pl.ds(k * WCH, WCH)],
            c_hbm.at[pl.ds(cid * HSIZE + s * HTILE + k * WCH, WCH)], s_sem))
    for cp in wcps:
        cp.wait()


_sc_hist = functools.partial(
    pl.kernel,
    out_type=jax.ShapeDtypeStruct((NC * HSIZE,), jnp.float32),
    mesh=plsc.VectorSubcoreMesh(core_axis_name="c", subcore_axis_name="s"),
    scratch_types=[
        pltpu.VMEM((N_NODES,), jnp.int32),
        pltpu.VMEM((2, SLAB), jnp.int32),
        pltpu.VMEM((SCCH,), jnp.int32),
        pltpu.VMEM((SCCH,), jnp.int32),
        pltpu.VMEM((SCCH,), jnp.float32),
        pltpu.VMEM((ZCH,), jnp.float32),
        pltpu.VMEM((HTILE,), jnp.float32),
        pltpu.VMEM_SHARED((HSIZE,), jnp.float32),
        pltpu.SemaphoreType.DMA,
        pltpu.SemaphoreType.DMA,
        pltpu.SemaphoreType.DMA,
    ],
    compiler_params=pltpu.CompilerParams(needs_layout_passes=False),
)(_sc_hist_body)


def _tc_mm_body(c0_ref, c1_ref, e_ref, o_ref):
    o_ref[...] = jnp.dot(c0_ref[...] + c1_ref[...], e_ref[0],
                         preferred_element_type=jnp.float32)


def kernel(x, atom_to_cycle, emb_table):
    c = _sc_hist(atom_to_cycle, x)
    c2d = c.reshape(NC * STRIPE, 128)
    e4 = jnp.zeros((4, 128, HIDDEN), emb_table.dtype)
    for g in range(4):
        e4 = e4.at[g, g * 32:g * 32 + VOCAB, :].set(emb_table)
    out = pl.pallas_call(
        _tc_mm_body,
        grid=(4,),
        in_specs=[
            pl.BlockSpec((STRIPE, 128), lambda g: (0, 0)),
            pl.BlockSpec((STRIPE, 128), lambda g: (1, 0)),
            pl.BlockSpec((1, 128, HIDDEN), lambda g: (g, 0, 0)),
        ],
        out_specs=pl.BlockSpec((STRIPE, HIDDEN), lambda g: (g, 0)),
        out_shape=jax.ShapeDtypeStruct((N_CYCLES, HIDDEN), jnp.float32),
    )(c2d, c2d, e4)
    return out

# --- scband reference (transcript-rebuilt; emitter-appended) ---
"""Pipeline reference for scband-cycle-embedding0-30382598652489 (READ-ONLY COPY).

The authoritative reference and input builder live on the scoring server;
editing this copy changes nothing except your own understanding.
"""

import jax, jax.numpy as jnp
import numpy as np

N_NODES = 10000
N_PAIRS = 320000
HIDDEN = 128
VOCAB = 22
N_CYCLES = 10000


def setup_inputs(seed: int = 0) -> dict:
    key = jax.random.key(seed)
    k1, k2, k3 = jax.random.split(key, 3)
    x = jax.random.randint(k1, (N_NODES,), 0, VOCAB, dtype=jnp.int32)
    atom_to_cycle = jax.random.randint(k2, (2, N_PAIRS), 0, N_CYCLES, dtype=jnp.int32)
    emb_table = jax.random.normal(k3, (VOCAB, HIDDEN), dtype=jnp.float32)
    return {"x": x, "atom_to_cycle": atom_to_cycle, "emb_table": emb_table}


def reference(x, atom_to_cycle, emb_table):
    # x = self.emb(x): embedding lookup
    h = jnp.take(emb_table, x, axis=0)  # [N_NODES, HIDDEN]
    # gather atom features per (atom, cycle) incidence pair
    gathered = jnp.take(h, atom_to_cycle[0], axis=0)  # [N_PAIRS, HIDDEN]
    # scatter_sum over cycle ids (dim 0)
    out = jax.ops.segment_sum(gathered, atom_to_cycle[1], num_segments=N_CYCLES)
    return out

if __name__ == "__main__":
    import jax
    _d = setup_inputs()
    print(jax.jit(kernel)(*tuple(_d.values())))

</pallas_src>

<mosaic_0001>
#map = affine_map<(d0, d1) -> (0, 0)>
#map1 = affine_map<(d0, d1) -> (0)>
module attributes {stable_mosaic.version = 14 : i64} {
  func.func @_sc_hist_body(%arg0: i32, %arg1: i32, %arg2: memref<2x320000xi32, #tpu.memory_space<hbm>>, %arg3: memref<10000xi32, #tpu.memory_space<hbm>>, %arg4: memref<655360xf32, #tpu.memory_space<hbm>>, %arg5: memref<10000xi32, #tpu.memory_space<vmem>>, %arg6: memref<2x10240xi32, #tpu.memory_space<vmem>>, %arg7: memref<2000xi32, #tpu.memory_space<vmem>>, %arg8: memref<2000xi32, #tpu.memory_space<vmem>>, %arg9: memref<2000xf32, #tpu.memory_space<vmem>>, %arg10: memref<4096xf32, #tpu.memory_space<vmem>>, %arg11: memref<20480xf32, #tpu.memory_space<vmem>>, %arg12: memref<327680xf32, #tpu.memory_space<vmem_shared>>, %arg13: memref<!tpu.dma_semaphore, #tpu.memory_space<semaphore_mem>>, %arg14: memref<!tpu.dma_semaphore, #tpu.memory_space<semaphore_mem>>, %arg15: memref<!tpu.dma_semaphore, #tpu.memory_space<semaphore_mem>>) attributes {dimension_semantics = [#tpu.dimension_semantics<core_parallel>, #tpu.dimension_semantics<subcore_parallel>], iteration_bounds = array<i64: 2, 16>, scalar_prefetch = 0 : i64, scratch_operands = 11 : i64, tpu.core_type = #tpu.core_type<sc_vector_subcore>, window_params = [{transform_indices = #map}, {transform_indices = #map1}, {transform_indices = #map1}]} {
    %mul3A = arith.constant 16 : i32
    %mul3A_0 = arith.muli %arg0, %mul3A : i32
    %add3A = arith.addi %mul3A_0, %arg1 : i32
    %mul3A_1 = arith.constant 10000 : i32
    %mul3A_2 = arith.muli %add3A, %mul3A_1 : i32
    %jit3A = arith.constant 128 : i32
    %eq3A = arith.constant 0 : i32
    %eq3A_3 = arith.cmpi eq, %jit3A, %eq3A : i32
    %jit3A_4 = arith.constant 1 : i32
    %select_n3A = arith.select %eq3A_3, %jit3A_4, %jit3A : i32
    %rem3A = arith.remsi %mul3A_2, %select_n3A : i32
    %ne3A = arith.constant 0 : i32
    %ne3A_5 = arith.cmpi ne, %rem3A, %ne3A : i32
    %lt3A = arith.constant 0 : i32
    %lt3A_6 = arith.cmpi slt, %rem3A, %lt3A : i32
    %lt3A_7 = arith.constant 0 : i32
    %lt3A_8 = arith.cmpi slt, %select_n3A, %lt3A_7 : i32
    %ne3A_9 = arith.xori %lt3A_6, %lt3A_8 : i1
    %and3A = arith.andi %ne3A_9, %ne3A_5 : i1
    %add3A_10 = arith.addi %rem3A, %select_n3A : i32
    %select_n3A_11 = arith.select %and3A, %add3A_10, %rem3A : i32
    %sub3A = arith.subi %mul3A_2, %select_n3A_11 : i32
    %min3A = arith.constant 309760 : i32
    %min3A_12 = arith.minsi %sub3A, %min3A : i32
    %multiple_of3A = tpu.assume_multiple %min3A_12, 128 : i32
    %sub3A_13 = arith.subi %mul3A_2, %multiple_of3A : i32
    tpu.enqueue_dma source(%arg3 : memref<10000xi32, #tpu.memory_space<hbm>>) target(%arg5 : memref<10000xi32, #tpu.memory_space<vmem>>) target_semaphore(%arg13 : memref<!tpu.dma_semaphore, #tpu.memory_space<semaphore_mem>>)
    %dma_start3A = arith.constant 0 : i32
    %dma_start3A_14 = tpu.memref_slice %arg2[%dma_start3A, %multiple_of3A] : memref<2x320000xi32, #tpu.memory_space<hbm>> -> memref<2x10240xi32, #tpu.memory_space<hbm>>
    %dma_start3A_15 = arith.constant 0 : i32
    %dma_start3A_16 = tpu.memref_slice %arg2[%dma_start3A_15, %multiple_of3A] : memref<2x320000xi32, #tpu.memory_space<hbm>> -> memref<2x10240xi32, #tpu.memory_space<hbm>>
    tpu.enqueue_dma source(%dma_start3A_16 : memref<2x10240xi32, #tpu.memory_space<hbm>>) target(%arg6 : memref<2x10240xi32, #tpu.memory_space<vmem>>) target_semaphore(%arg13 : memref<!tpu.dma_semaphore, #tpu.memory_space<semaphore_mem>>)
    %parallel_loop3A = arith.constant 0 : i32
    %parallel_loop3A_17 = arith.constant 4096 : i32
    %parallel_loop3A_18 = arith.constant 16 : i32
    scf.for %parallel_loop3A_242 = %parallel_loop3A to %parallel_loop3A_17 step %parallel_loop3A_18  : i32 {
      %parallel_loop3A_243 = arith.constant 0.000000e+00 : f32
      %parallel_loop3A_244 = vector.broadcast %parallel_loop3A_243 : f32 to vector<16xf32>
      %parallel_loop3A_245 = arith.index_cast %parallel_loop3A_242 : i32 to index
      %parallel_loop3A_246 = tpu.vector_load %arg10[%parallel_loop3A_245] {strides = array<i32>} : memref<4096xf32, #tpu.memory_space<vmem>>, vector<16xf32>,
      tpu.vector_store %arg10[%parallel_loop3A_245], %parallel_loop3A_244 {strides = array<i32>} : memref<4096xf32, #tpu.memory_space<vmem>>, vector<16xf32>,
    } {sc.loop_unroll_factor = 4 : i64, sc.parallel_access}
    %mul3A_19 = arith.constant 20480 : i32
    %mul3A_20 = arith.muli %arg1, %mul3A_19 : i32
    %add3A_21 = arith.constant 0 : i32
    %add3A_22 = arith.addi %mul3A_20, %add3A_21 : i32
    %dma_start3A_23 = tpu.memref_slice %arg12[%add3A_22] : memref<327680xf32, #tpu.memory_space<vmem_shared>> -> memref<4096xf32, #tpu.memory_space<vmem_shared>>
    %dma_start3A_24 = tpu.memref_slice %arg12[%add3A_22] : memref<327680xf32, #tpu.memory_space<vmem_shared>> -> memref<4096xf32, #tpu.memory_space<vmem_shared>>
    tpu.enqueue_dma source(%arg10 : memref<4096xf32, #tpu.memory_space<vmem>>) target(%dma_start3A_24 : memref<4096xf32, #tpu.memory_space<vmem_shared>>) target_semaphore(%arg14 : memref<!tpu.dma_semaphore, #tpu.memory_space<semaphore_mem>>)
    %mul3A_25 = arith.constant 20480 : i32
    %mul3A_26 = arith.muli %arg1, %mul3A_25 : i32
    %add3A_27 = arith.constant 4096 : i32
    %add3A_28 = arith.addi %mul3A_26, %add3A_27 : i32
    %dma_start3A_29 = tpu.memref_slice %arg12[%add3A_28] : memref<327680xf32, #tpu.memory_space<vmem_shared>> -> memref<4096xf32, #tpu.memory_space<vmem_shared>>
    %dma_start3A_30 = tpu.memref_slice %arg12[%add3A_28] : memref<327680xf32, #tpu.memory_space<vmem_shared>> -> memref<4096xf32, #tpu.memory_space<vmem_shared>>
    tpu.enqueue_dma source(%arg10 : memref<4096xf32, #tpu.memory_space<vmem>>) target(%dma_start3A_30 : memref<4096xf32, #tpu.memory_space<vmem_shared>>) target_semaphore(%arg14 : memref<!tpu.dma_semaphore, #tpu.memory_space<semaphore_mem>>)
    %mul3A_31 = arith.constant 20480 : i32
    %mul3A_32 = arith.muli %arg1, %mul3A_31 : i32
    %add3A_33 = arith.constant 8192 : i32
    %add3A_34 = arith.addi %mul3A_32, %add3A_33 : i32
    %dma_start3A_35 = tpu.memref_slice %arg12[%add3A_34] : memref<327680xf32, #tpu.memory_space<vmem_shared>> -> memref<4096xf32, #tpu.memory_space<vmem_shared>>
    %dma_start3A_36 = tpu.memref_slice %arg12[%add3A_34] : memref<327680xf32, #tpu.memory_space<vmem_shared>> -> memref<4096xf32, #tpu.memory_space<vmem_shared>>
    tpu.enqueue_dma source(%arg10 : memref<4096xf32, #tpu.memory_space<vmem>>) target(%dma_start3A_36 : memref<4096xf32, #tpu.memory_space<vmem_shared>>) target_semaphore(%arg14 : memref<!tpu.dma_semaphore, #tpu.memory_space<semaphore_mem>>)
    %mul3A_37 = arith.constant 20480 : i32
    %mul3A_38 = arith.muli %arg1, %mul3A_37 : i32
    %add3A_39 = arith.constant 12288 : i32
    %add3A_40 = arith.addi %mul3A_38, %add3A_39 : i32
    %dma_start3A_41 = tpu.memref_slice %arg12[%add3A_40] : memref<327680xf32, #tpu.memory_space<vmem_shared>> -> memref<4096xf32, #tpu.memory_space<vmem_shared>>
    %dma_start3A_42 = tpu.memref_slice %arg12[%add3A_40] : memref<327680xf32, #tpu.memory_space<vmem_shared>> -> memref<4096xf32, #tpu.memory_space<vmem_shared>>
    tpu.enqueue_dma source(%arg10 : memref<4096xf32, #tpu.memory_space<vmem>>) target(%dma_start3A_42 : memref<4096xf32, #tpu.memory_space<vmem_shared>>) target_semaphore(%arg14 : memref<!tpu.dma_semaphore, #tpu.memory_space<semaphore_mem>>)
    %mul3A_43 = arith.constant 20480 : i32
    %mul3A_44 = arith.muli %arg1, %mul3A_43 : i32
    %add3A_45 = arith.constant 16384 : i32
    %add3A_46 = arith.addi %mul3A_44, %add3A_45 : i32
    %dma_start3A_47 = tpu.memref_slice %arg12[%add3A_46] : memref<327680xf32, #tpu.memory_space<vmem_shared>> -> memref<4096xf32, #tpu.memory_space<vmem_shared>>
    %dma_start3A_48 = tpu.memref_slice %arg12[%add3A_46] : memref<327680xf32, #tpu.memory_space<vmem_shared>> -> memref<4096xf32, #tpu.memory_space<vmem_shared>>
    tpu.enqueue_dma source(%arg10 : memref<4096xf32, #tpu.memory_space<vmem>>) target(%dma_start3A_48 : memref<4096xf32, #tpu.memory_space<vmem_shared>>) target_semaphore(%arg14 : memref<!tpu.dma_semaphore, #tpu.memory_space<semaphore_mem>>)
    %broadcast_in_dim3A = arith.constant 1.000000e+00 : f32
    %broadcast_in_dim3A_49 = vector.broadcast %broadcast_in_dim3A : f32 to vector<16xf32>
    %parallel_loop3A_50 = arith.constant 0 : i32
    %parallel_loop3A_51 = arith.constant 2000 : i32
    %parallel_loop3A_52 = arith.constant 16 : i32
    scf.for %parallel_loop3A_242 = %parallel_loop3A_50 to %parallel_loop3A_51 step %parallel_loop3A_52  : i32 {
      %parallel_loop3A_243 = arith.index_cast %parallel_loop3A_242 : i32 to index
      %parallel_loop3A_244 = tpu.vector_load %arg9[%parallel_loop3A_243] {strides = array<i32>} : memref<2000xf32, #tpu.memory_space<vmem>>, vector<16xf32>,
      tpu.vector_store %arg9[%parallel_loop3A_243], %broadcast_in_dim3A_49 {strides = array<i32>} : memref<2000xf32, #tpu.memory_space<vmem>>, vector<16xf32>,
    } {sc.loop_unroll_factor = 4 : i64, sc.parallel_access}
    tpu.wait_dma2 semaphore(%arg13 : memref<!tpu.dma_semaphore, #tpu.memory_space<semaphore_mem>>) src(%arg3 : memref<10000xi32, #tpu.memory_space<hbm>>) dst(%arg5 : memref<10000xi32, #tpu.memory_space<vmem>>)
    %dma_wait3A = arith.constant 0 : i32
    %dma_wait3A_53 = tpu.memref_slice %arg2[%dma_wait3A, %multiple_of3A] : memref<2x320000xi32, #tpu.memory_space<hbm>> -> memref<2x10240xi32, #tpu.memory_space<hbm>>
    %dma_wait3A_54 = arith.constant 0 : i32
    %dma_wait3A_55 = tpu.memref_slice %arg2[%dma_wait3A_54, %multiple_of3A] : memref<2x320000xi32, #tpu.memory_space<hbm>> -> memref<2x10240xi32, #tpu.memory_space<hbm>>
    tpu.wait_dma2 semaphore(%arg13 : memref<!tpu.dma_semaphore, #tpu.memory_space<semaphore_mem>>) src(%dma_wait3A_55 : memref<2x10240xi32, #tpu.memory_space<hbm>>) dst(%arg6 : memref<2x10240xi32, #tpu.memory_space<vmem>>)
    %parallel_loop3A_56 = arith.constant 0 : i32
    %parallel_loop3A_57 = arith.constant 2000 : i32
    %parallel_loop3A_58 = arith.constant 16 : i32
    scf.for %parallel_loop3A_242 = %parallel_loop3A_56 to %parallel_loop3A_57 step %parallel_loop3A_58  : i32 {
      %parallel_loop3A_243 = arith.constant 0 : i32
      %parallel_loop3A_244 = arith.addi %sub3A_13, %parallel_loop3A_243 : i32
      %parallel_loop3A_245 = arith.addi %parallel_loop3A_244, %parallel_loop3A_242 : i32
      %parallel_loop3A_246 = arith.constant 0 : i32
      %parallel_loop3A_247 = arith.index_cast %parallel_loop3A_246 : i32 to index
      %parallel_loop3A_248 = arith.index_cast %parallel_loop3A_245 : i32 to index
      %parallel_loop3A_249 = tpu.vector_load %arg6[%parallel_loop3A_247, %parallel_loop3A_248] {strides = array<i32>} : memref<2x10240xi32, #tpu.memory_space<vmem>>, vector<16xi32>,
      %parallel_loop3A_250 = tpu.vector_load_idx %arg5[%parallel_loop3A_249] : memref<10000xi32, #tpu.memory_space<vmem>>[vector<16xi32>], vector<16xi32>,
      %parallel_loop3A_251 = arith.constant 0 : i32
      %parallel_loop3A_252 = arith.addi %sub3A_13, %parallel_loop3A_251 : i32
      %parallel_loop3A_253 = arith.addi %parallel_loop3A_252, %parallel_loop3A_242 : i32
      %parallel_loop3A_254 = arith.constant 1 : i32
      %parallel_loop3A_255 = arith.index_cast %parallel_loop3A_254 : i32 to index
      %parallel_loop3A_256 = arith.index_cast %parallel_loop3A_253 : i32 to index
      %parallel_loop3A_257 = tpu.vector_load %arg6[%parallel_loop3A_255, %parallel_loop3A_256] {strides = array<i32>} : memref<2x10240xi32, #tpu.memory_space<vmem>>, vector<16xi32>,
      %parallel_loop3A_258 = arith.constant 26215 : i32
      %parallel_loop3A_259 = vector.broadcast %parallel_loop3A_258 : i32 to vector<16xi32>
      %parallel_loop3A_260 = arith.muli %parallel_loop3A_257, %parallel_loop3A_259 : vector<16xi32>
      %parallel_loop3A_261 = arith.constant 26 : i32
      %parallel_loop3A_262 = vector.broadcast %parallel_loop3A_261 : i32 to vector<16xi32>
      %parallel_loop3A_263 = arith.shrsi %parallel_loop3A_260, %parallel_loop3A_262 : vector<16xi32>
      %parallel_loop3A_264 = arith.constant 11 : i32
      %parallel_loop3A_265 = vector.broadcast %parallel_loop3A_264 : i32 to vector<16xi32>
      %parallel_loop3A_266 = arith.shli %parallel_loop3A_263, %parallel_loop3A_265 : vector<16xi32>
      %parallel_loop3A_267 = arith.constant 9 : i32
      %parallel_loop3A_268 = vector.broadcast %parallel_loop3A_267 : i32 to vector<16xi32>
      %parallel_loop3A_269 = arith.shli %parallel_loop3A_263, %parallel_loop3A_268 : vector<16xi32>
      %parallel_loop3A_270 = arith.addi %parallel_loop3A_266, %parallel_loop3A_269 : vector<16xi32>
      %parallel_loop3A_271 = arith.subi %parallel_loop3A_257, %parallel_loop3A_270 : vector<16xi32>
      %parallel_loop3A_272 = arith.constant 7 : i32
      %parallel_loop3A_273 = vector.broadcast %parallel_loop3A_272 : i32 to vector<16xi32>
      %parallel_loop3A_274 = arith.shli %parallel_loop3A_271, %parallel_loop3A_273 : vector<16xi32>
      %parallel_loop3A_275 = arith.constant 5 : i32
      %parallel_loop3A_276 = vector.broadcast %parallel_loop3A_275 : i32 to vector<16xi32>
      %parallel_loop3A_277 = arith.shli %parallel_loop3A_263, %parallel_loop3A_276 : vector<16xi32>
      %parallel_loop3A_278 = arith.ori %parallel_loop3A_274, %parallel_loop3A_277 : vector<16xi32>
      %parallel_loop3A_279 = arith.ori %parallel_loop3A_278, %parallel_loop3A_250 : vector<16xi32>
      %parallel_loop3A_280 = arith.index_cast %parallel_loop3A_242 : i32 to index
      %parallel_loop3A_281 = tpu.vector_load %arg7[%parallel_loop3A_280] {strides = array<i32>} : memref<2000xi32, #tpu.memory_space<vmem>>, vector<16xi32>,
      tpu.vector_store %arg7[%parallel_loop3A_280], %parallel_loop3A_279 {strides = array<i32>} : memref<2000xi32, #tpu.memory_space<vmem>>, vector<16xi32>,
    } {sc.loop_unroll_factor = 2 : i64, sc.parallel_access}
    %dma_wait3A_59 = tpu.memref_slice %arg12[%add3A_22] : memref<327680xf32, #tpu.memory_space<vmem_shared>> -> memref<4096xf32, #tpu.memory_space<vmem_shared>>
    %dma_wait3A_60 = tpu.memref_slice %arg12[%add3A_22] : memref<327680xf32, #tpu.memory_space<vmem_shared>> -> memref<4096xf32, #tpu.memory_space<vmem_shared>>
    tpu.wait_dma2 semaphore(%arg14 : memref<!tpu.dma_semaphore, #tpu.memory_space<semaphore_mem>>) src(%arg10 : memref<4096xf32, #tpu.memory_space<vmem>>) dst(%dma_wait3A_60 : memref<4096xf32, #tpu.memory_space<vmem_shared>>)
    %dma_wait3A_61 = tpu.memref_slice %arg12[%add3A_28] : memref<327680xf32, #tpu.memory_space<vmem_shared>> -> memref<4096xf32, #tpu.memory_space<vmem_shared>>
    %dma_wait3A_62 = tpu.memref_slice %arg12[%add3A_28] : memref<327680xf32, #tpu.memory_space<vmem_shared>> -> memref<4096xf32, #tpu.memory_space<vmem_shared>>
    tpu.wait_dma2 semaphore(%arg14 : memref<!tpu.dma_semaphore, #tpu.memory_space<semaphore_mem>>) src(%arg10 : memref<4096xf32, #tpu.memory_space<vmem>>) dst(%dma_wait3A_62 : memref<4096xf32, #tpu.memory_space<vmem_shared>>)
    %dma_wait3A_63 = tpu.memref_slice %arg12[%add3A_34] : memref<327680xf32, #tpu.memory_space<vmem_shared>> -> memref<4096xf32, #tpu.memory_space<vmem_shared>>
    %dma_wait3A_64 = tpu.memref_slice %arg12[%add3A_34] : memref<327680xf32, #tpu.memory_space<vmem_shared>> -> memref<4096xf32, #tpu.memory_space<vmem_shared>>
    tpu.wait_dma2 semaphore(%arg14 : memref<!tpu.dma_semaphore, #tpu.memory_space<semaphore_mem>>) src(%arg10 : memref<4096xf32, #tpu.memory_space<vmem>>) dst(%dma_wait3A_64 : memref<4096xf32, #tpu.memory_space<vmem_shared>>)
    %dma_wait3A_65 = tpu.memref_slice %arg12[%add3A_40] : memref<327680xf32, #tpu.memory_space<vmem_shared>> -> memref<4096xf32, #tpu.memory_space<vmem_shared>>
    %dma_wait3A_66 = tpu.memref_slice %arg12[%add3A_40] : memref<327680xf32, #tpu.memory_space<vmem_shared>> -> memref<4096xf32, #tpu.memory_space<vmem_shared>>
    tpu.wait_dma2 semaphore(%arg14 : memref<!tpu.dma_semaphore, #tpu.memory_space<semaphore_mem>>) src(%arg10 : memref<4096xf32, #tpu.memory_space<vmem>>) dst(%dma_wait3A_66 : memref<4096xf32, #tpu.memory_space<vmem_shared>>)
    %dma_wait3A_67 = tpu.memref_slice %arg12[%add3A_46] : memref<327680xf32, #tpu.memory_space<vmem_shared>> -> memref<4096xf32, #tpu.memory_space<vmem_shared>>
    %dma_wait3A_68 = tpu.memref_slice %arg12[%add3A_46] : memref<327680xf32, #tpu.memory_space<vmem_shared>> -> memref<4096xf32, #tpu.memory_space<vmem_shared>>
    tpu.wait_dma2 semaphore(%arg14 : memref<!tpu.dma_semaphore, #tpu.memory_space<semaphore_mem>>) src(%arg10 : memref<4096xf32, #tpu.memory_space<vmem>>) dst(%dma_wait3A_68 : memref<4096xf32, #tpu.memory_space<vmem_shared>>)
    %barrier3A = arith.constant 0 : index
    tpu.barrier barrier_id(%barrier3A)
    %dma_start3A_69 = arith.constant 0 : i32
    %dma_start3A_70 = tpu.memref_slice %arg12[%dma_start3A_69] : memref<327680xf32, #tpu.memory_space<vmem_shared>> -> memref<327680xf32, #tpu.memory_space<vmem_shared>>
    tpu.enqueue_indirect_dma source(%arg9 : memref<2000xf32, #tpu.memory_space<vmem>>) target(%dma_start3A_70 : memref<327680xf32, #tpu.memory_space<vmem_shared>>) offsets(%arg7 : memref<2000xi32, #tpu.memory_space<vmem>>) semaphore(%arg15 : memref<!tpu.dma_semaphore, #tpu.memory_space<semaphore_mem>>) {add = true}
    %parallel_loop3A_71 = arith.constant 0 : i32
    %parallel_loop3A_72 = arith.constant 2000 : i32
    %parallel_loop3A_73 = arith.constant 16 : i32
    scf.for %parallel_loop3A_242 = %parallel_loop3A_71 to %parallel_loop3A_72 step %parallel_loop3A_73  : i32 {
      %parallel_loop3A_243 = arith.constant 2000 : i32
      %parallel_loop3A_244 = arith.addi %sub3A_13, %parallel_loop3A_243 : i32
      %parallel_loop3A_245 = arith.addi %parallel_loop3A_244, %parallel_loop3A_242 : i32
      %parallel_loop3A_246 = arith.constant 0 : i32
      %parallel_loop3A_247 = arith.index_cast %parallel_loop3A_246 : i32 to index
      %parallel_loop3A_248 = arith.index_cast %parallel_loop3A_245 : i32 to index
      %parallel_loop3A_249 = tpu.vector_load %arg6[%parallel_loop3A_247, %parallel_loop3A_248] {strides = array<i32>} : memref<2x10240xi32, #tpu.memory_space<vmem>>, vector<16xi32>,
      %parallel_loop3A_250 = tpu.vector_load_idx %arg5[%parallel_loop3A_249] : memref<10000xi32, #tpu.memory_space<vmem>>[vector<16xi32>], vector<16xi32>,
      %parallel_loop3A_251 = arith.constant 2000 : i32
      %parallel_loop3A_252 = arith.addi %sub3A_13, %parallel_loop3A_251 : i32
      %parallel_loop3A_253 = arith.addi %parallel_loop3A_252, %parallel_loop3A_242 : i32
      %parallel_loop3A_254 = arith.constant 1 : i32
      %parallel_loop3A_255 = arith.index_cast %parallel_loop3A_254 : i32 to index
      %parallel_loop3A_256 = arith.index_cast %parallel_loop3A_253 : i32 to index
      %parallel_loop3A_257 = tpu.vector_load %arg6[%parallel_loop3A_255, %parallel_loop3A_256] {strides = array<i32>} : memref<2x10240xi32, #tpu.memory_space<vmem>>, vector<16xi32>,
      %parallel_loop3A_258 = arith.constant 26215 : i32
      %parallel_loop3A_259 = vector.broadcast %parallel_loop3A_258 : i32 to vector<16xi32>
      %parallel_loop3A_260 = arith.muli %parallel_loop3A_257, %parallel_loop3A_259 : vector<16xi32>
      %parallel_loop3A_261 = arith.constant 26 : i32
      %parallel_loop3A_262 = vector.broadcast %parallel_loop3A_261 : i32 to vector<16xi32>
      %parallel_loop3A_263 = arith.shrsi %parallel_loop3A_260, %parallel_loop3A_262 : vector<16xi32>
      %parallel_loop3A_264 = arith.constant 11 : i32
      %parallel_loop3A_265 = vector.broadcast %parallel_loop3A_264 : i32 to vector<16xi32>
      %parallel_loop3A_266 = arith.shli %parallel_loop3A_263, %parallel_loop3A_265 : vector<16xi32>
      %parallel_loop3A_267 = arith.constant 9 : i32
      %parallel_loop3A_268 = vector.broadcast %parallel_loop3A_267 : i32 to vector<16xi32>
      %parallel_loop3A_269 = arith.shli %parallel_loop3A_263, %parallel_loop3A_268 : vector<16xi32>
      %parallel_loop3A_270 = arith.addi %parallel_loop3A_266, %parallel_loop3A_269 : vector<16xi32>
      %parallel_loop3A_271 = arith.subi %parallel_loop3A_257, %parallel_loop3A_270 : vector<16xi32>
      %parallel_loop3A_272 = arith.constant 7 : i32
      %parallel_loop3A_273 = vector.broadcast %parallel_loop3A_272 : i32 to vector<16xi32>
      %parallel_loop3A_274 = arith.shli %parallel_loop3A_271, %parallel_loop3A_273 : vector<16xi32>
      %parallel_loop3A_275 = arith.constant 5 : i32
      %parallel_loop3A_276 = vector.broadcast %parallel_loop3A_275 : i32 to vector<16xi32>
      %parallel_loop3A_277 = arith.shli %parallel_loop3A_263, %parallel_loop3A_276 : vector<16xi32>
      %parallel_loop3A_278 = arith.ori %parallel_loop3A_274, %parallel_loop3A_277 : vector<16xi32>
      %parallel_loop3A_279 = arith.ori %parallel_loop3A_278, %parallel_loop3A_250 : vector<16xi32>
      %parallel_loop3A_280 = arith.index_cast %parallel_loop3A_242 : i32 to index
      %parallel_loop3A_281 = tpu.vector_load %arg8[%parallel_loop3A_280] {strides = array<i32>} : memref<2000xi32, #tpu.memory_space<vmem>>, vector<16xi32>,
      tpu.vector_store %arg8[%parallel_loop3A_280], %parallel_loop3A_279 {strides = array<i32>} : memref<2000xi32, #tpu.memory_space<vmem>>, vector<16xi32>,
    } {sc.loop_unroll_factor = 2 : i64, sc.parallel_access}
    %dma_start3A_74 = arith.constant 0 : i32
    %dma_start3A_75 = tpu.memref_slice %arg12[%dma_start3A_74] : memref<327680xf32, #tpu.memory_space<vmem_shared>> -> memref<327680xf32, #tpu.memory_space<vmem_shared>>
    tpu.enqueue_indirect_dma source(%arg9 : memref<2000xf32, #tpu.memory_space<vmem>>) target(%dma_start3A_75 : memref<327680xf32, #tpu.memory_space<vmem_shared>>) offsets(%arg8 : memref<2000xi32, #tpu.memory_space<vmem>>) semaphore(%arg15 : memref<!tpu.dma_semaphore, #tpu.memory_space<semaphore_mem>>) {add = true}
    %dma_wait3A_76 = arith.constant 0 : i32
    %dma_wait3A_77 = tpu.memref_slice %arg12[%dma_wait3A_76] : memref<327680xf32, #tpu.memory_space<vmem_shared>> -> memref<327680xf32, #tpu.memory_space<vmem_shared>>
    tpu.wait_indirect_dma semaphore(%arg15 : memref<!tpu.dma_semaphore, #tpu.memory_space<semaphore_mem>>) src(%arg9 : memref<2000xf32, #tpu.memory_space<vmem>>) dst(%dma_wait3A_77 : memref<327680xf32, #tpu.memory_space<vmem_shared>>)
    %parallel_loop3A_78 = arith.constant 0 : i32
    %parallel_loop3A_79 = arith.constant 2000 : i32
    %parallel_loop3A_80 = arith.constant 16 : i32
    scf.for %parallel_loop3A_242 = %parallel_loop3A_78 to %parallel_loop3A_79 step %parallel_loop3A_80  : i32 {
      %parallel_loop3A_243 = arith.constant 4000 : i32
      %parallel_loop3A_244 = arith.addi %sub3A_13, %parallel_loop3A_243 : i32
      %parallel_loop3A_245 = arith.addi %parallel_loop3A_244, %parallel_loop3A_242 : i32
      %parallel_loop3A_246 = arith.constant 0 : i32
      %parallel_loop3A_247 = arith.index_cast %parallel_loop3A_246 : i32 to index
      %parallel_loop3A_248 = arith.index_cast %parallel_loop3A_245 : i32 to index
      %parallel_loop3A_249 = tpu.vector_load %arg6[%parallel_loop3A_247, %parallel_loop3A_248] {strides = array<i32>} : memref<2x10240xi32, #tpu.memory_space<vmem>>, vector<16xi32>,
      %parallel_loop3A_250 = tpu.vector_load_idx %arg5[%parallel_loop3A_249] : memref<10000xi32, #tpu.memory_space<vmem>>[vector<16xi32>], vector<16xi32>,
      %parallel_loop3A_251 = arith.constant 4000 : i32
      %parallel_loop3A_252 = arith.addi %sub3A_13, %parallel_loop3A_251 : i32
      %parallel_loop3A_253 = arith.addi %parallel_loop3A_252, %parallel_loop3A_242 : i32
      %parallel_loop3A_254 = arith.constant 1 : i32
      %parallel_loop3A_255 = arith.index_cast %parallel_loop3A_254 : i32 to index
      %parallel_loop3A_256 = arith.index_cast %parallel_loop3A_253 : i32 to index
      %parallel_loop3A_257 = tpu.vector_load %arg6[%parallel_loop3A_255, %parallel_loop3A_256] {strides = array<i32>} : memref<2x10240xi32, #tpu.memory_space<vmem>>, vector<16xi32>,
      %parallel_loop3A_258 = arith.constant 26215 : i32
      %parallel_loop3A_259 = vector.broadcast %parallel_loop3A_258 : i32 to vector<16xi32>
      %parallel_loop3A_260 = arith.muli %parallel_loop3A_257, %parallel_loop3A_259 : vector<16xi32>
      %parallel_loop3A_261 = arith.constant 26 : i32
      %parallel_loop3A_262 = vector.broadcast %parallel_loop3A_261 : i32 to vector<16xi32>
      %parallel_loop3A_263 = arith.shrsi %parallel_loop3A_260, %parallel_loop3A_262 : vector<16xi32>
      %parallel_loop3A_264 = arith.constant 11 : i32
      %parallel_loop3A_265 = vector.broadcast %parallel_loop3A_264 : i32 to vector<16xi32>
      %parallel_loop3A_266 = arith.shli %parallel_loop3A_263, %parallel_loop3A_265 : vector<16xi32>
      %parallel_loop3A_267 = arith.constant 9 : i32
      %parallel_loop3A_268 = vector.broadcast %parallel_loop3A_267 : i32 to vector<16xi32>
      %parallel_loop3A_269 = arith.shli %parallel_loop3A_263, %parallel_loop3A_268 : vector<16xi32>
      %parallel_loop3A_270 = arith.addi %parallel_loop3A_266, %parallel_loop3A_269 : vector<16xi32>
      %parallel_loop3A_271 = arith.subi %parallel_loop3A_257, %parallel_loop3A_270 : vector<16xi32>
      %parallel_loop3A_272 = arith.constant 7 : i32
      %parallel_loop3A_273 = vector.broadcast %parallel_loop3A_272 : i32 to vector<16xi32>
      %parallel_loop3A_274 = arith.shli %parallel_loop3A_271, %parallel_loop3A_273 : vector<16xi32>
      %parallel_loop3A_275 = arith.constant 5 : i32
      %parallel_loop3A_276 = vector.broadcast %parallel_loop3A_275 : i32 to vector<16xi32>
      %parallel_loop3A_277 = arith.shli %parallel_loop3A_263, %parallel_loop3A_276 : vector<16xi32>
      %parallel_loop3A_278 = arith.ori %parallel_loop3A_274, %parallel_loop3A_277 : vector<16xi32>
      %parallel_loop3A_279 = arith.ori %parallel_loop3A_278, %parallel_loop3A_250 : vector<16xi32>
      %parallel_loop3A_280 = arith.index_cast %parallel_loop3A_242 : i32 to index
      %parallel_loop3A_281 = tpu.vector_load %arg7[%parallel_loop3A_280] {strides = array<i32>} : memref<2000xi32, #tpu.memory_space<vmem>>, vector<16xi32>,
      tpu.vector_store %arg7[%parallel_loop3A_280], %parallel_loop3A_279 {strides = array<i32>} : memref<2000xi32, #tpu.memory_space<vmem>>, vector<16xi32>,
    } {sc.loop_unroll_factor = 2 : i64, sc.parallel_access}
    %dma_start3A_81 = arith.constant 0 : i32
    %dma_start3A_82 = tpu.memref_slice %arg12[%dma_start3A_81] : memref<327680xf32, #tpu.memory_space<vmem_shared>> -> memref<327680xf32, #tpu.memory_space<vmem_shared>>
    tpu.enqueue_indirect_dma source(%arg9 : memref<2000xf32, #tpu.memory_space<vmem>>) target(%dma_start3A_82 : memref<327680xf32, #tpu.memory_space<vmem_shared>>) offsets(%arg7 : memref<2000xi32, #tpu.memory_space<vmem>>) semaphore(%arg15 : memref<!tpu.dma_semaphore, #tpu.memory_space<semaphore_mem>>) {add = true}
    %dma_wait3A_83 = arith.constant 0 : i32
    %dma_wait3A_84 = tpu.memref_slice %arg12[%dma_wait3A_83] : memref<327680xf32, #tpu.memory_space<vmem_shared>> -> memref<327680xf32, #tpu.memory_space<vmem_shared>>
    tpu.wait_indirect_dma semaphore(%arg15 : memref<!tpu.dma_semaphore, #tpu.memory_space<semaphore_mem>>) src(%arg9 : memref<2000xf32, #tpu.memory_space<vmem>>) dst(%dma_wait3A_84 : memref<327680xf32, #tpu.memory_space<vmem_shared>>)
    %parallel_loop3A_85 = arith.constant 0 : i32
    %parallel_loop3A_86 = arith.constant 2000 : i32
    %parallel_loop3A_87 = arith.constant 16 : i32
    scf.for %parallel_loop3A_242 = %parallel_loop3A_85 to %parallel_loop3A_86 step %parallel_loop3A_87  : i32 {
      %parallel_loop3A_243 = arith.constant 6000 : i32
      %parallel_loop3A_244 = arith.addi %sub3A_13, %parallel_loop3A_243 : i32
      %parallel_loop3A_245 = arith.addi %parallel_loop3A_244, %parallel_loop3A_242 : i32
      %parallel_loop3A_246 = arith.constant 0 : i32
      %parallel_loop3A_247 = arith.index_cast %parallel_loop3A_246 : i32 to index
      %parallel_loop3A_248 = arith.index_cast %parallel_loop3A_245 : i32 to index
      %parallel_loop3A_249 = tpu.vector_load %arg6[%parallel_loop3A_247, %parallel_loop3A_248] {strides = array<i32>} : memref<2x10240xi32, #tpu.memory_space<vmem>>, vector<16xi32>,
      %parallel_loop3A_250 = tpu.vector_load_idx %arg5[%parallel_loop3A_249] : memref<10000xi32, #tpu.memory_space<vmem>>[vector<16xi32>], vector<16xi32>,
      %parallel_loop3A_251 = arith.constant 6000 : i32
      %parallel_loop3A_252 = arith.addi %sub3A_13, %parallel_loop3A_251 : i32
      %parallel_loop3A_253 = arith.addi %parallel_loop3A_252, %parallel_loop3A_242 : i32
      %parallel_loop3A_254 = arith.constant 1 : i32
      %parallel_loop3A_255 = arith.index_cast %parallel_loop3A_254 : i32 to index
      %parallel_loop3A_256 = arith.index_cast %parallel_loop3A_253 : i32 to index
      %parallel_loop3A_257 = tpu.vector_load %arg6[%parallel_loop3A_255, %parallel_loop3A_256] {strides = array<i32>} : memref<2x10240xi32, #tpu.memory_space<vmem>>, vector<16xi32>,
      %parallel_loop3A_258 = arith.constant 26215 : i32
      %parallel_loop3A_259 = vector.broadcast %parallel_loop3A_258 : i32 to vector<16xi32>
      %parallel_loop3A_260 = arith.muli %parallel_loop3A_257, %parallel_loop3A_259 : vector<16xi32>
      %parallel_loop3A_261 = arith.constant 26 : i32
      %parallel_loop3A_262 = vector.broadcast %parallel_loop3A_261 : i32 to vector<16xi32>
      %parallel_loop3A_263 = arith.shrsi %parallel_loop3A_260, %parallel_loop3A_262 : vector<16xi32>
      %parallel_loop3A_264 = arith.constant 11 : i32
      %parallel_loop3A_265 = vector.broadcast %parallel_loop3A_264 : i32 to vector<16xi32>
      %parallel_loop3A_266 = arith.shli %parallel_loop3A_263, %parallel_loop3A_265 : vector<16xi32>
      %parallel_loop3A_267 = arith.constant 9 : i32
      %parallel_loop3A_268 = vector.broadcast %parallel_loop3A_267 : i32 to vector<16xi32>
      %parallel_loop3A_269 = arith.shli %parallel_loop3A_263, %parallel_loop3A_268 : vector<16xi32>
      %parallel_loop3A_270 = arith.addi %parallel_loop3A_266, %parallel_loop3A_269 : vector<16xi32>
      %parallel_loop3A_271 = arith.subi %parallel_loop3A_257, %parallel_loop3A_270 : vector<16xi32>
      %parallel_loop3A_272 = arith.constant 7 : i32
      %parallel_loop3A_273 = vector.broadcast %parallel_loop3A_272 : i32 to vector<16xi32>
      %parallel_loop3A_274 = arith.shli %parallel_loop3A_271, %parallel_loop3A_273 : vector<16xi32>
      %parallel_loop3A_275 = arith.constant 5 : i32
      %parallel_loop3A_276 = vector.broadcast %parallel_loop3A_275 : i32 to vector<16xi32>
      %parallel_loop3A_277 = arith.shli %parallel_loop3A_263, %parallel_loop3A_276 : vector<16xi32>
      %parallel_loop3A_278 = arith.ori %parallel_loop3A_274, %parallel_loop3A_277 : vector<16xi32>
      %parallel_loop3A_279 = arith.ori %parallel_loop3A_278, %parallel_loop3A_250 : vector<16xi32>
      %parallel_loop3A_280 = arith.index_cast %parallel_loop3A_242 : i32 to index
      %parallel_loop3A_281 = tpu.vector_load %arg8[%parallel_loop3A_280] {strides = array<i32>} : memref<2000xi32, #tpu.memory_space<vmem>>, vector<16xi32>,
      tpu.vector_store %arg8[%parallel_loop3A_280], %parallel_loop3A_279 {strides = array<i32>} : memref<2000xi32, #tpu.memory_space<vmem>>, vector<16xi32>,
    } {sc.loop_unroll_factor = 2 : i64, sc.parallel_access}
    %dma_start3A_88 = arith.constant 0 : i32
    %dma_start3A_89 = tpu.memref_slice %arg12[%dma_start3A_88] : memref<327680xf32, #tpu.memory_space<vmem_shared>> -> memref<327680xf32, #tpu.memory_space<vmem_shared>>
    tpu.enqueue_indirect_dma source(%arg9 : memref<2000xf32, #tpu.memory_space<vmem>>) target(%dma_start3A_89 : memref<327680xf32, #tpu.memory_space<vmem_shared>>) offsets(%arg8 : memref<2000xi32, #tpu.memory_space<vmem>>) semaphore(%arg15 : memref<!tpu.dma_semaphore, #tpu.memory_space<semaphore_mem>>) {add = true}
    %dma_wait3A_90 = arith.constant 0 : i32
    %dma_wait3A_91 = tpu.memref_slice %arg12[%dma_wait3A_90] : memref<327680xf32, #tpu.memory_space<vmem_shared>> -> memref<327680xf32, #tpu.memory_space<vmem_shared>>
    tpu.wait_indirect_dma semaphore(%arg15 : memref<!tpu.dma_semaphore, #tpu.memory_space<semaphore_mem>>) src(%arg9 : memref<2000xf32, #tpu.memory_space<vmem>>) dst(%dma_wait3A_91 : memref<327680xf32, #tpu.memory_space<vmem_shared>>)
    %parallel_loop3A_92 = arith.constant 0 : i32
    %parallel_loop3A_93 = arith.constant 2000 : i32
    %parallel_loop3A_94 = arith.constant 16 : i32
    scf.for %parallel_loop3A_242 = %parallel_loop3A_92 to %parallel_loop3A_93 step %parallel_loop3A_94  : i32 {
      %parallel_loop3A_243 = arith.constant 8000 : i32
      %parallel_loop3A_244 = arith.addi %sub3A_13, %parallel_loop3A_243 : i32
      %parallel_loop3A_245 = arith.addi %parallel_loop3A_244, %parallel_loop3A_242 : i32
      %parallel_loop3A_246 = arith.constant 0 : i32
      %parallel_loop3A_247 = arith.index_cast %parallel_loop3A_246 : i32 to index
      %parallel_loop3A_248 = arith.index_cast %parallel_loop3A_245 : i32 to index
      %parallel_loop3A_249 = tpu.vector_load %arg6[%parallel_loop3A_247, %parallel_loop3A_248] {strides = array<i32>} : memref<2x10240xi32, #tpu.memory_space<vmem>>, vector<16xi32>,
      %parallel_loop3A_250 = tpu.vector_load_idx %arg5[%parallel_loop3A_249] : memref<10000xi32, #tpu.memory_space<vmem>>[vector<16xi32>], vector<16xi32>,
      %parallel_loop3A_251 = arith.constant 8000 : i32
      %parallel_loop3A_252 = arith.addi %sub3A_13, %parallel_loop3A_251 : i32
      %parallel_loop3A_253 = arith.addi %parallel_loop3A_252, %parallel_loop3A_242 : i32
      %parallel_loop3A_254 = arith.constant 1 : i32
      %parallel_loop3A_255 = arith.index_cast %parallel_loop3A_254 : i32 to index
      %parallel_loop3A_256 = arith.index_cast %parallel_loop3A_253 : i32 to index
      %parallel_loop3A_257 = tpu.vector_load %arg6[%parallel_loop3A_255, %parallel_loop3A_256] {strides = array<i32>} : memref<2x10240xi32, #tpu.memory_space<vmem>>, vector<16xi32>,
      %parallel_loop3A_258 = arith.constant 26215 : i32
      %parallel_loop3A_259 = vector.broadcast %parallel_loop3A_258 : i32 to vector<16xi32>
      %parallel_loop3A_260 = arith.muli %parallel_loop3A_257, %parallel_loop3A_259 : vector<16xi32>
      %parallel_loop3A_261 = arith.constant 26 : i32
      %parallel_loop3A_262 = vector.broadcast %parallel_loop3A_261 : i32 to vector<16xi32>
      %parallel_loop3A_263 = arith.shrsi %parallel_loop3A_260, %parallel_loop3A_262 : vector<16xi32>
      %parallel_loop3A_264 = arith.constant 11 : i32
      %parallel_loop3A_265 = vector.broadcast %parallel_loop3A_264 : i32 to vector<16xi32>
      %parallel_loop3A_266 = arith.shli %parallel_loop3A_263, %parallel_loop3A_265 : vector<16xi32>
      %parallel_loop3A_267 = arith.constant 9 : i32
      %parallel_loop3A_268 = vector.broadcast %parallel_loop3A_267 : i32 to vector<16xi32>
      %parallel_loop3A_269 = arith.shli %parallel_loop3A_263, %parallel_loop3A_268 : vector<16xi32>
      %parallel_loop3A_270 = arith.addi %parallel_loop3A_266, %parallel_loop3A_269 : vector<16xi32>
      %parallel_loop3A_271 = arith.subi %parallel_loop3A_257, %parallel_loop3A_270 : vector<16xi32>
      %parallel_loop3A_272 = arith.constant 7 : i32
      %parallel_loop3A_273 = vector.broadcast %parallel_loop3A_272 : i32 to vector<16xi32>
      %parallel_loop3A_274 = arith.shli %parallel_loop3A_271, %parallel_loop3A_273 : vector<16xi32>
      %parallel_loop3A_275 = arith.constant 5 : i32
      %parallel_loop3A_276 = vector.broadcast %parallel_loop3A_275 : i32 to vector<16xi32>
      %parallel_loop3A_277 = arith.shli %parallel_loop3A_263, %parallel_loop3A_276 : vector<16xi32>
      %parallel_loop3A_278 = arith.ori %parallel_loop3A_274, %parallel_loop3A_277 : vector<16xi32>
      %parallel_loop3A_279 = arith.ori %parallel_loop3A_278, %parallel_loop3A_250 : vector<16xi32>
      %parallel_loop3A_280 = arith.index_cast %parallel_loop3A_242 : i32 to index
      %parallel_loop3A_281 = tpu.vector_load %arg7[%parallel_loop3A_280] {strides = array<i32>} : memref<2000xi32, #tpu.memory_space<vmem>>, vector<16xi32>,
      tpu.vector_store %arg7[%parallel_loop3A_280], %parallel_loop3A_279 {strides = array<i32>} : memref<2000xi32, #tpu.memory_space<vmem>>, vector<16xi32>,
    } {sc.loop_unroll_factor = 2 : i64, sc.parallel_access}
    %dma_start3A_95 = arith.constant 0 : i32
    %dma_start3A_96 = tpu.memref_slice %arg12[%dma_start3A_95] : memref<327680xf32, #tpu.memory_space<vmem_shared>> -> memref<327680xf32, #tpu.memory_space<vmem_shared>>
    tpu.enqueue_indirect_dma source(%arg9 : memref<2000xf32, #tpu.memory_space<vmem>>) target(%dma_start3A_96 : memref<327680xf32, #tpu.memory_space<vmem_shared>>) offsets(%arg7 : memref<2000xi32, #tpu.memory_space<vmem>>) semaphore(%arg15 : memref<!tpu.dma_semaphore, #tpu.memory_space<semaphore_mem>>) {add = true}
    %dma_wait3A_97 = arith.constant 0 : i32
    %dma_wait3A_98 = tpu.memref_slice %arg12[%dma_wait3A_97] : memref<327680xf32, #tpu.memory_space<vmem_shared>> -> memref<327680xf32, #tpu.memory_space<vmem_shared>>
    tpu.wait_indirect_dma semaphore(%arg15 : memref<!tpu.dma_semaphore, #tpu.memory_space<semaphore_mem>>) src(%arg9 : memref<2000xf32, #tpu.memory_space<vmem>>) dst(%dma_wait3A_98 : memref<327680xf32, #tpu.memory_space<vmem_shared>>)
    %dma_wait3A_99 = arith.constant 0 : i32
    %dma_wait3A_100 = tpu.memref_slice %arg12[%dma_wait3A_99] : memref<327680xf32, #tpu.memory_space<vmem_shared>> -> memref<327680xf32, #tpu.memory_space<vmem_shared>>
    tpu.wait_indirect_dma semaphore(%arg15 : memref<!tpu.dma_semaphore, #tpu.memory_space<semaphore_mem>>) src(%arg9 : memref<2000xf32, #tpu.memory_space<vmem>>) dst(%dma_wait3A_100 : memref<327680xf32, #tpu.memory_space<vmem_shared>>)
    %barrier3A_101 = arith.constant 0 : index
    tpu.barrier barrier_id(%barrier3A_101)
    %mul3A_102 = arith.constant 20480 : i32
    %mul3A_103 = arith.muli %arg1, %mul3A_102 : i32
    %add3A_104 = arith.constant 0 : i32
    %add3A_105 = arith.addi %mul3A_103, %add3A_104 : i32
    %dma_start3A_106 = arith.constant 0 : i32
    %dma_start3A_107 = tpu.memref_slice %arg11[%dma_start3A_106] : memref<20480xf32, #tpu.memory_space<vmem>> -> memref<5120xf32, #tpu.memory_space<vmem>>
    %dma_start3A_108 = tpu.memref_slice %arg12[%add3A_105] : memref<327680xf32, #tpu.memory_space<vmem_shared>> -> memref<5120xf32, #tpu.memory_space<vmem_shared>>
    %dma_start3A_109 = arith.constant 0 : i32
    %dma_start3A_110 = tpu.memref_slice %arg11[%dma_start3A_109] : memref<20480xf32, #tpu.memory_space<vmem>> -> memref<5120xf32, #tpu.memory_space<vmem>>
    %dma_start3A_111 = tpu.memref_slice %arg12[%add3A_105] : memref<327680xf32, #tpu.memory_space<vmem_shared>> -> memref<5120xf32, #tpu.memory_space<vmem_shared>>
    tpu.enqueue_dma source(%dma_start3A_111 : memref<5120xf32, #tpu.memory_space<vmem_shared>>) target(%dma_start3A_110 : memref<5120xf32, #tpu.memory_space<vmem>>) target_semaphore(%arg14 : memref<!tpu.dma_semaphore, #tpu.memory_space<semaphore_mem>>)
    %dma_wait3A_112 = arith.constant 0 : i32
    %dma_wait3A_113 = tpu.memref_slice %arg11[%dma_wait3A_112] : memref<20480xf32, #tpu.memory_space<vmem>> -> memref<5120xf32, #tpu.memory_space<vmem>>
    %dma_wait3A_114 = tpu.memref_slice %arg12[%add3A_105] : memref<327680xf32, #tpu.memory_space<vmem_shared>> -> memref<5120xf32, #tpu.memory_space<vmem_shared>>
    %dma_wait3A_115 = arith.constant 0 : i32
    %dma_wait3A_116 = tpu.memref_slice %arg11[%dma_wait3A_115] : memref<20480xf32, #tpu.memory_space<vmem>> -> memref<5120xf32, #tpu.memory_space<vmem>>
    %dma_wait3A_117 = tpu.memref_slice %arg12[%add3A_105] : memref<327680xf32, #tpu.memory_space<vmem_shared>> -> memref<5120xf32, #tpu.memory_space<vmem_shared>>
    tpu.wait_dma2 semaphore(%arg14 : memref<!tpu.dma_semaphore, #tpu.memory_space<semaphore_mem>>) src(%dma_wait3A_117 : memref<5120xf32, #tpu.memory_space<vmem_shared>>) dst(%dma_wait3A_116 : memref<5120xf32, #tpu.memory_space<vmem>>)
    %mul3A_118 = arith.constant 327680 : i32
    %mul3A_119 = arith.muli %arg0, %mul3A_118 : i32
    %mul3A_120 = arith.constant 20480 : i32
    %mul3A_121 = arith.muli %arg1, %mul3A_120 : i32
    %add3A_122 = arith.addi %mul3A_119, %mul3A_121 : i32
    %add3A_123 = arith.constant 0 : i32
    %add3A_124 = arith.addi %add3A_122, %add3A_123 : i32
    %dma_start3A_125 = arith.constant 0 : i32
    %dma_start3A_126 = tpu.memref_slice %arg11[%dma_start3A_125] : memref<20480xf32, #tpu.memory_space<vmem>> -> memref<5120xf32, #tpu.memory_space<vmem>>
    %dma_start3A_127 = tpu.memref_slice %arg4[%add3A_124] : memref<655360xf32, #tpu.memory_space<hbm>> -> memref<5120xf32, #tpu.memory_space<hbm>>
    %dma_start3A_128 = tpu.memref_slice %arg4[%add3A_124] : memref<655360xf32, #tpu.memory_space<hbm>> -> memref<5120xf32, #tpu.memory_space<hbm>>
    %dma_start3A_129 = arith.constant 0 : i32
    %dma_start3A_130 = tpu.memref_slice %arg11[%dma_start3A_129] : memref<20480xf32, #tpu.memory_space<vmem>> -> memref<5120xf32, #tpu.memory_space<vmem>>
    tpu.enqueue_dma source(%dma_start3A_130 : memref<5120xf32, #tpu.memory_space<vmem>>) target(%dma_start3A_128 : memref<5120xf32, #tpu.memory_space<hbm>>) target_semaphore(%arg15 : memref<!tpu.dma_semaphore, #tpu.memory_space<semaphore_mem>>)
    %mul3A_131 = arith.constant 20480 : i32
    %mul3A_132 = arith.muli %arg1, %mul3A_131 : i32
    %add3A_133 = arith.constant 5120 : i32
    %add3A_134 = arith.addi %mul3A_132, %add3A_133 : i32
    %dma_start3A_135 = arith.constant 5120 : i32
    %dma_start3A_136 = tpu.memref_slice %arg11[%dma_start3A_135] : memref<20480xf32, #tpu.memory_space<vmem>> -> memref<5120xf32, #tpu.memory_space<vmem>>
    %dma_start3A_137 = tpu.memref_slice %arg12[%add3A_134] : memref<327680xf32, #tpu.memory_space<vmem_shared>> -> memref<5120xf32, #tpu.memory_space<vmem_shared>>
    %dma_start3A_138 = arith.constant 5120 : i32
    %dma_start3A_139 = tpu.memref_slice %arg11[%dma_start3A_138] : memref<20480xf32, #tpu.memory_space<vmem>> -> memref<5120xf32, #tpu.memory_space<vmem>>
    %dma_start3A_140 = tpu.memref_slice %arg12[%add3A_134] : memref<327680xf32, #tpu.memory_space<vmem_shared>> -> memref<5120xf32, #tpu.memory_space<vmem_shared>>
    tpu.enqueue_dma source(%dma_start3A_140 : memref<5120xf32, #tpu.memory_space<vmem_shared>>) target(%dma_start3A_139 : memref<5120xf32, #tpu.memory_space<vmem>>) target_semaphore(%arg14 : memref<!tpu.dma_semaphore, #tpu.memory_space<semaphore_mem>>)
    %dma_wait3A_141 = arith.constant 5120 : i32
    %dma_wait3A_142 = tpu.memref_slice %arg11[%dma_wait3A_141] : memref<20480xf32, #tpu.memory_space<vmem>> -> memref<5120xf32, #tpu.memory_space<vmem>>
    %dma_wait3A_143 = tpu.memref_slice %arg12[%add3A_134] : memref<327680xf32, #tpu.memory_space<vmem_shared>> -> memref<5120xf32, #tpu.memory_space<vmem_shared>>
    %dma_wait3A_144 = arith.constant 5120 : i32
    %dma_wait3A_145 = tpu.memref_slice %arg11[%dma_wait3A_144] : memref<20480xf32, #tpu.memory_space<vmem>> -> memref<5120xf32, #tpu.memory_space<vmem>>
    %dma_wait3A_146 = tpu.memref_slice %arg12[%add3A_134] : memref<327680xf32, #tpu.memory_space<vmem_shared>> -> memref<5120xf32, #tpu.memory_space<vmem_shared>>
    tpu.wait_dma2 semaphore(%arg14 : memref<!tpu.dma_semaphore, #tpu.memory_space<semaphore_mem>>) src(%dma_wait3A_146 : memref<5120xf32, #tpu.memory_space<vmem_shared>>) dst(%dma_wait3A_145 : memref<5120xf32, #tpu.memory_space<vmem>>)
    %mul3A_147 = arith.constant 327680 : i32
    %mul3A_148 = arith.muli %arg0, %mul3A_147 : i32
    %mul3A_149 = arith.constant 20480 : i32
    %mul3A_150 = arith.muli %arg1, %mul3A_149 : i32
    %add3A_151 = arith.addi %mul3A_148, %mul3A_150 : i32
    %add3A_152 = arith.constant 5120 : i32
    %add3A_153 = arith.addi %add3A_151, %add3A_152 : i32
    %dma_start3A_154 = arith.constant 5120 : i32
    %dma_start3A_155 = tpu.memref_slice %arg11[%dma_start3A_154] : memref<20480xf32, #tpu.memory_space<vmem>> -> memref<5120xf32, #tpu.memory_space<vmem>>
    %dma_start3A_156 = tpu.memref_slice %arg4[%add3A_153] : memref<655360xf32, #tpu.memory_space<hbm>> -> memref<5120xf32, #tpu.memory_space<hbm>>
    %dma_start3A_157 = tpu.memref_slice %arg4[%add3A_153] : memref<655360xf32, #tpu.memory_space<hbm>> -> memref<5120xf32, #tpu.memory_space<hbm>>
    %dma_start3A_158 = arith.constant 5120 : i32
    %dma_start3A_159 = tpu.memref_slice %arg11[%dma_start3A_158] : memref<20480xf32, #tpu.memory_space<vmem>> -> memref<5120xf32, #tpu.memory_space<vmem>>
    tpu.enqueue_dma source(%dma_start3A_159 : memref<5120xf32, #tpu.memory_space<vmem>>) target(%dma_start3A_157 : memref<5120xf32, #tpu.memory_space<hbm>>) target_semaphore(%arg15 : memref<!tpu.dma_semaphore, #tpu.memory_space<semaphore_mem>>)
    %mul3A_160 = arith.constant 20480 : i32
    %mul3A_161 = arith.muli %arg1, %mul3A_160 : i32
    %add3A_162 = arith.constant 10240 : i32
    %add3A_163 = arith.addi %mul3A_161, %add3A_162 : i32
    %dma_start3A_164 = arith.constant 10240 : i32
    %dma_start3A_165 = tpu.memref_slice %arg11[%dma_start3A_164] : memref<20480xf32, #tpu.memory_space<vmem>> -> memref<5120xf32, #tpu.memory_space<vmem>>
    %dma_start3A_166 = tpu.memref_slice %arg12[%add3A_163] : memref<327680xf32, #tpu.memory_space<vmem_shared>> -> memref<5120xf32, #tpu.memory_space<vmem_shared>>
    %dma_start3A_167 = arith.constant 10240 : i32
    %dma_start3A_168 = tpu.memref_slice %arg11[%dma_start3A_167] : memref<20480xf32, #tpu.memory_space<vmem>> -> memref<5120xf32, #tpu.memory_space<vmem>>
    %dma_start3A_169 = tpu.memref_slice %arg12[%add3A_163] : memref<327680xf32, #tpu.memory_space<vmem_shared>> -> memref<5120xf32, #tpu.memory_space<vmem_shared>>
    tpu.enqueue_dma source(%dma_start3A_169 : memref<5120xf32, #tpu.memory_space<vmem_shared>>) target(%dma_start3A_168 : memref<5120xf32, #tpu.memory_space<vmem>>) target_semaphore(%arg14 : memref<!tpu.dma_semaphore, #tpu.memory_space<semaphore_mem>>)
    %dma_wait3A_170 = arith.constant 10240 : i32
    %dma_wait3A_171 = tpu.memref_slice %arg11[%dma_wait3A_170] : memref<20480xf32, #tpu.memory_space<vmem>> -> memref<5120xf32, #tpu.memory_space<vmem>>
    %dma_wait3A_172 = tpu.memref_slice %arg12[%add3A_163] : memref<327680xf32, #tpu.memory_space<vmem_shared>> -> memref<5120xf32, #tpu.memory_space<vmem_shared>>
    %dma_wait3A_173 = arith.constant 10240 : i32
    %dma_wait3A_174 = tpu.memref_slice %arg11[%dma_wait3A_173] : memref<20480xf32, #tpu.memory_space<vmem>> -> memref<5120xf32, #tpu.memory_space<vmem>>
    %dma_wait3A_175 = tpu.memref_slice %arg12[%add3A_163] : memref<327680xf32, #tpu.memory_space<vmem_shared>> -> memref<5120xf32, #tpu.memory_space<vmem_shared>>
    tpu.wait_dma2 semaphore(%arg14 : memref<!tpu.dma_semaphore, #tpu.memory_space<semaphore_mem>>) src(%dma_wait3A_175 : memref<5120xf32, #tpu.memory_space<vmem_shared>>) dst(%dma_wait3A_174 : memref<5120xf32, #tpu.memory_space<vmem>>)
    %mul3A_176 = arith.constant 327680 : i32
    %mul3A_177 = arith.muli %arg0, %mul3A_176 : i32
    %mul3A_178 = arith.constant 20480 : i32
    %mul3A_179 = arith.muli %arg1, %mul3A_178 : i32
    %add3A_180 = arith.addi %mul3A_177, %mul3A_179 : i32
    %add3A_181 = arith.constant 10240 : i32
    %add3A_182 = arith.addi %add3A_180, %add3A_181 : i32
    %dma_start3A_183 = arith.constant 10240 : i32
    %dma_start3A_184 = tpu.memref_slice %arg11[%dma_start3A_183] : memref<20480xf32, #tpu.memory_space<vmem>> -> memref<5120xf32, #tpu.memory_space<vmem>>
    %dma_start3A_185 = tpu.memref_slice %arg4[%add3A_182] : memref<655360xf32, #tpu.memory_space<hbm>> -> memref<5120xf32, #tpu.memory_space<hbm>>
    %dma_start3A_186 = tpu.memref_slice %arg4[%add3A_182] : memref<655360xf32, #tpu.memory_space<hbm>> -> memref<5120xf32, #tpu.memory_space<hbm>>
    %dma_start3A_187 = arith.constant 10240 : i32
    %dma_start3A_188 = tpu.memref_slice %arg11[%dma_start3A_187] : memref<20480xf32, #tpu.memory_space<vmem>> -> memref<5120xf32, #tpu.memory_space<vmem>>
    tpu.enqueue_dma source(%dma_start3A_188 : memref<5120xf32, #tpu.memory_space<vmem>>) target(%dma_start3A_186 : memref<5120xf32, #tpu.memory_space<hbm>>) target_semaphore(%arg15 : memref<!tpu.dma_semaphore, #tpu.memory_space<semaphore_mem>>)
    %mul3A_189 = arith.constant 20480 : i32
    %mul3A_190 = arith.muli %arg1, %mul3A_189 : i32
    %add3A_191 = arith.constant 15360 : i32
    %add3A_192 = arith.addi %mul3A_190, %add3A_191 : i32
    %dma_start3A_193 = arith.constant 15360 : i32
    %dma_start3A_194 = tpu.memref_slice %arg11[%dma_start3A_193] : memref<20480xf32, #tpu.memory_space<vmem>> -> memref<5120xf32, #tpu.memory_space<vmem>>
    %dma_start3A_195 = tpu.memref_slice %arg12[%add3A_192] : memref<327680xf32, #tpu.memory_space<vmem_shared>> -> memref<5120xf32, #tpu.memory_space<vmem_shared>>
    %dma_start3A_196 = arith.constant 15360 : i32
    %dma_start3A_197 = tpu.memref_slice %arg11[%dma_start3A_196] : memref<20480xf32, #tpu.memory_space<vmem>> -> memref<5120xf32, #tpu.memory_space<vmem>>
    %dma_start3A_198 = tpu.memref_slice %arg12[%add3A_192] : memref<327680xf32, #tpu.memory_space<vmem_shared>> -> memref<5120xf32, #tpu.memory_space<vmem_shared>>
    tpu.enqueue_dma source(%dma_start3A_198 : memref<5120xf32, #tpu.memory_space<vmem_shared>>) target(%dma_start3A_197 : memref<5120xf32, #tpu.memory_space<vmem>>) target_semaphore(%arg14 : memref<!tpu.dma_semaphore, #tpu.memory_space<semaphore_mem>>)
    %dma_wait3A_199 = arith.constant 15360 : i32
    %dma_wait3A_200 = tpu.memref_slice %arg11[%dma_wait3A_199] : memref<20480xf32, #tpu.memory_space<vmem>> -> memref<5120xf32, #tpu.memory_space<vmem>>
    %dma_wait3A_201 = tpu.memref_slice %arg12[%add3A_192] : memref<327680xf32, #tpu.memory_space<vmem_shared>> -> memref<5120xf32, #tpu.memory_space<vmem_shared>>
    %dma_wait3A_202 = arith.constant 15360 : i32
    %dma_wait3A_203 = tpu.memref_slice %arg11[%dma_wait3A_202] : memref<20480xf32, #tpu.memory_space<vmem>> -> memref<5120xf32, #tpu.memory_space<vmem>>
    %dma_wait3A_204 = tpu.memref_slice %arg12[%add3A_192] : memref<327680xf32, #tpu.memory_space<vmem_shared>> -> memref<5120xf32, #tpu.memory_space<vmem_shared>>
    tpu.wait_dma2 semaphore(%arg14 : memref<!tpu.dma_semaphore, #tpu.memory_space<semaphore_mem>>) src(%dma_wait3A_204 : memref<5120xf32, #tpu.memory_space<vmem_shared>>) dst(%dma_wait3A_203 : memref<5120xf32, #tpu.memory_space<vmem>>)
    %mul3A_205 = arith.constant 327680 : i32
    %mul3A_206 = arith.muli %arg0, %mul3A_205 : i32
    %mul3A_207 = arith.constant 20480 : i32
    %mul3A_208 = arith.muli %arg1, %mul3A_207 : i32
    %add3A_209 = arith.addi %mul3A_206, %mul3A_208 : i32
    %add3A_210 = arith.constant 15360 : i32
    %add3A_211 = arith.addi %add3A_209, %add3A_210 : i32
    %dma_start3A_212 = arith.constant 15360 : i32
    %dma_start3A_213 = tpu.memref_slice %arg11[%dma_start3A_212] : memref<20480xf32, #tpu.memory_space<vmem>> -> memref<5120xf32, #tpu.memory_space<vmem>>
    %dma_start3A_214 = tpu.memref_slice %arg4[%add3A_211] : memref<655360xf32, #tpu.memory_space<hbm>> -> memref<5120xf32, #tpu.memory_space<hbm>>
    %dma_start3A_215 = tpu.memref_slice %arg4[%add3A_211] : memref<655360xf32, #tpu.memory_space<hbm>> -> memref<5120xf32, #tpu.memory_space<hbm>>
    %dma_start3A_216 = arith.constant 15360 : i32
    %dma_start3A_217 = tpu.memref_slice %arg11[%dma_start3A_216] : memref<20480xf32, #tpu.memory_space<vmem>> -> memref<5120xf32, #tpu.memory_space<vmem>>
    tpu.enqueue_dma source(%dma_start3A_217 : memref<5120xf32, #tpu.memory_space<vmem>>) target(%dma_start3A_215 : memref<5120xf32, #tpu.memory_space<hbm>>) target_semaphore(%arg15 : memref<!tpu.dma_semaphore, #tpu.memory_space<semaphore_mem>>)
    %dma_wait3A_218 = arith.constant 0 : i32
    %dma_wait3A_219 = tpu.memref_slice %arg11[%dma_wait3A_218] : memref<20480xf32, #tpu.memory_space<vmem>> -> memref<5120xf32, #tpu.memory_space<vmem>>
    %dma_wait3A_220 = tpu.memref_slice %arg4[%add3A_124] : memref<655360xf32, #tpu.memory_space<hbm>> -> memref<5120xf32, #tpu.memory_space<hbm>>
    %dma_wait3A_221 = tpu.memref_slice %arg4[%add3A_124] : memref<655360xf32, #tpu.memory_space<hbm>> -> memref<5120xf32, #tpu.memory_space<hbm>>
    %dma_wait3A_222 = arith.constant 0 : i32
    %dma_wait3A_223 = tpu.memref_slice %arg11[%dma_wait3A_222] : memref<20480xf32, #tpu.memory_space<vmem>> -> memref<5120xf32, #tpu.memory_space<vmem>>
    tpu.wait_dma2 semaphore(%arg15 : memref<!tpu.dma_semaphore, #tpu.memory_space<semaphore_mem>>) src(%dma_wait3A_223 : memref<5120xf32, #tpu.memory_space<vmem>>) dst(%dma_wait3A_221 : memref<5120xf32, #tpu.memory_space<hbm>>)
    %dma_wait3A_224 = arith.constant 5120 : i32
    %dma_wait3A_225 = tpu.memref_slice %arg11[%dma_wait3A_224] : memref<20480xf32, #tpu.memory_space<vmem>> -> memref<5120xf32, #tpu.memory_space<vmem>>
    %dma_wait3A_226 = tpu.memref_slice %arg4[%add3A_153] : memref<655360xf32, #tpu.memory_space<hbm>> -> memref<5120xf32, #tpu.memory_space<hbm>>
    %dma_wait3A_227 = tpu.memref_slice %arg4[%add3A_153] : memref<655360xf32, #tpu.memory_space<hbm>> -> memref<5120xf32, #tpu.memory_space<hbm>>
    %dma_wait3A_228 = arith.constant 5120 : i32
    %dma_wait3A_229 = tpu.memref_slice %arg11[%dma_wait3A_228] : memref<20480xf32, #tpu.memory_space<vmem>> -> memref<5120xf32, #tpu.memory_space<vmem>>
    tpu.wait_dma2 semaphore(%arg15 : memref<!tpu.dma_semaphore, #tpu.memory_space<semaphore_mem>>) src(%dma_wait3A_229 : memref<5120xf32, #tpu.memory_space<vmem>>) dst(%dma_wait3A_227 : memref<5120xf32, #tpu.memory_space<hbm>>)
    %dma_wait3A_230 = arith.constant 10240 : i32
    %dma_wait3A_231 = tpu.memref_slice %arg11[%dma_wait3A_230] : memref<20480xf32, #tpu.memory_space<vmem>> -> memref<5120xf32, #tpu.memory_space<vmem>>
    %dma_wait3A_232 = tpu.memref_slice %arg4[%add3A_182] : memref<655360xf32, #tpu.memory_space<hbm>> -> memref<5120xf32, #tpu.memory_space<hbm>>
    %dma_wait3A_233 = tpu.memref_slice %arg4[%add3A_182] : memref<655360xf32, #tpu.memory_space<hbm>> -> memref<5120xf32, #tpu.memory_space<hbm>>
    %dma_wait3A_234 = arith.constant 10240 : i32
    %dma_wait3A_235 = tpu.memref_slice %arg11[%dma_wait3A_234] : memref<20480xf32, #tpu.memory_space<vmem>> -> memref<5120xf32, #tpu.memory_space<vmem>>
    tpu.wait_dma2 semaphore(%arg15 : memref<!tpu.dma_semaphore, #tpu.memory_space<semaphore_mem>>) src(%dma_wait3A_235 : memref<5120xf32, #tpu.memory_space<vmem>>) dst(%dma_wait3A_233 : memref<5120xf32, #tpu.memory_space<hbm>>)
    %dma_wait3A_236 = arith.constant 15360 : i32
    %dma_wait3A_237 = tpu.memref_slice %arg11[%dma_wait3A_236] : memref<20480xf32, #tpu.memory_space<vmem>> -> memref<5120xf32, #tpu.memory_space<vmem>>
    %dma_wait3A_238 = tpu.memref_slice %arg4[%add3A_211] : memref<655360xf32, #tpu.memory_space<hbm>> -> memref<5120xf32, #tpu.memory_space<hbm>>
    %dma_wait3A_239 = tpu.memref_slice %arg4[%add3A_211] : memref<655360xf32, #tpu.memory_space<hbm>> -> memref<5120xf32, #tpu.memory_space<hbm>>
    %dma_wait3A_240 = arith.constant 15360 : i32
    %dma_wait3A_241 = tpu.memref_slice %arg11[%dma_wait3A_240] : memref<20480xf32, #tpu.memory_space<vmem>> -> memref<5120xf32, #tpu.memory_space<vmem>>
    tpu.wait_dma2 semaphore(%arg15 : memref<!tpu.dma_semaphore, #tpu.memory_space<semaphore_mem>>) src(%dma_wait3A_241 : memref<5120xf32, #tpu.memory_space<vmem>>) dst(%dma_wait3A_239 : memref<5120xf32, #tpu.memory_space<hbm>>)
    return
  }
}

module attributes {stable_mosaic.version = 14 : i64} {
  func.func @_tc_mm_body(%arg0: i32, %arg1: memref<2560x128xf32, #tpu.memory_space<vmem>>, %arg2: memref<2560x128xf32, #tpu.memory_space<vmem>>, %arg3: memref<1x128x128xf32, #tpu.memory_space<vmem>>, %arg4: memref<2560x128xf32, #tpu.memory_space<vmem>>) attributes {dimension_semantics = [#tpu.dimension_semantics<arbitrary>], iteration_bounds = array<i64: 4>, scalar_prefetch = 0 : i64, scratch_operands = 0 : i64, tpu.core_type = #tpu.core_type<tc>, window_params = [{transform_indices = @transform_0, window_bounds = array<i64: 2560, 128>}, {transform_indices = @transform_1, window_bounds = array<i64: 2560, 128>}, {transform_indices = @transform_2, window_bounds = array<i64: 1, 128, 128>}, {transform_indices = @transform_3, window_bounds = array<i64: 2560, 128>}]} {
    %get3A = arith.constant 0 : index
    %get3A_0 = arith.constant 0 : index
    %get3A_1 = vector.load %arg1[%get3A, %get3A_0] : memref<2560x128xf32, #tpu.memory_space<vmem>>, vector<2560x128xf32>
    %get3A_2 = arith.constant 0 : index
    %get3A_3 = arith.constant 0 : index
    %get3A_4 = vector.load %arg2[%get3A_2, %get3A_3] : memref<2560x128xf32, #tpu.memory_space<vmem>>, vector<2560x128xf32>
    %add3A = arith.addf %get3A_1, %get3A_4 : vector<2560x128xf32>
    %get3A_5 = arith.constant 0 : index
    %get3A_6 = arith.constant 0 : index
    %get3A_7 = arith.constant 0 : index
    %get3A_8 = vector.load %arg3[%get3A_5, %get3A_6, %get3A_7] : memref<1x128x128xf32, #tpu.memory_space<vmem>>, vector<1x128x128xf32>
    %get3A_9 = vector.shape_cast %get3A_8 : vector<1x128x128xf32> to vector<128x128xf32>
    %dot_general3A = arith.constant dense<0.000000e+00> : vector<2560x128xf32>
    %dot_general3A_10 = tpu.matmul %add3A, %get3A_9, %dot_general3A {dimension_numbers = #tpu.dot_dimension_numbers<[1], [0], [0], [1], [0, 0, 1, 1], [], []>, transpose_lhs_hint = false} : vector<2560x128xf32>, vector<128x128xf32>, vector<2560x128xf32> -> vector<2560x128xf32>
    %swap3A = arith.constant 0 : index
    %swap3A_11 = arith.constant 0 : index
    %swap3A_12 = vector.load %arg4[%swap3A, %swap3A_11] : memref<2560x128xf32, #tpu.memory_space<vmem>>, vector<2560x128xf32>
    tpu.vector_store %arg4[%swap3A, %swap3A_11], %dot_general3A_10 {strides = array<i32>} : memref<2560x128xf32, #tpu.memory_space<vmem>>, vector<2560x128xf32>,
    return
  }
  func.func @transform_0(%arg0: i32) -> (i32, i32) {
    %c0_i32 = arith.constant 0 : i32
    %c0_i32_0 = arith.constant 0 : i32
    %c0_i32_1 = arith.constant 0 : i32
    return %c0_i32, %c0_i32_0 : i32, i32
  }
  func.func @transform_1(%arg0: i32) -> (i32, i32) {
    %c1_i32 = arith.constant 1 : i32
    %c0_i32 = arith.constant 0 : i32
    %c0_i32_0 = arith.constant 0 : i32
    return %c1_i32, %c0_i32 : i32, i32
  }
  func.func @transform_2(%arg0: i32) -> (i32, i32, i32) {
    %c0_i32 = arith.constant 0 : i32
    %c0_i32_0 = arith.constant 0 : i32
    %c0_i32_1 = arith.constant 0 : i32
    return %arg0, %c0_i32, %c0_i32_0 : i32, i32, i32
  }
  func.func @transform_3(%arg0: i32) -> (i32, i32) {
    %c0_i32 = arith.constant 0 : i32
    %c0_i32_0 = arith.constant 0 : i32
    return %arg0, %c0_i32 : i32, i32
  }
}

</mosaic_0001>

<sc_bundles>
// kernel: kernel.4.cloned.1.call-start
scs
__scs_entry_jumppad:
0x0: {  	(pc) =	sbr.rel $0x88, $3  }
0x1: {  	(tag) =	ssettag $0x0;
	lr =	simm.s32 $0x1  }
0x2: {  	[smem:$0x3F9E] =	sst lr;
	_ =	strace $0xD0000000  }
0x3: {  	_ = 	snop  }
0x4: {  	_ = 	snop  }
0x5: {  	_ = 	snop  }
0x6: {  	_ = 	snop  }
0x7: {  	_ = 	snop  }
__scs_overlays_trampoline_lowered:
0x8: {  	[smem:$0x3FAD] =	sst s0  }
0x9: {  	[smem:$0x3FAE] =	sst s1  }
0xa: {  	[smem:$0x3FAF] =	sst s2  }
0xb: {  	[smem:$0x3FB0] =	sst s3  }
0xc: {  	[smem:$0x3FB1] =	sst s4  }
0xd: {  	[smem:$0x3FB2] =	sst s5  }
0xe: {  	[smem:$0x3FB3] =	sst s6  }
0xf: {  	[smem:$0x3FB4] =	sst s7  }
0x10: {  	[smem:$0x3FB5] =	sst s8  }
0x11: {  	[smem:$0x3FB6] =	sst s9;
	s0 =	simm.s32 @!p0 $0x0  }
0x12: {  	s1 =	sld [smem:$0x3F9C];
	s0 =	simm.s32 @p0 $0x1  }
0x13: {  	[smem:$0x3FB7] =	sst s0;
	s0 =	simm.s32 @!p1 $0x0  }
0x14: {  	s2 =	sld [smem:$0x3F9B];
	s0 =	simm.s32 @p1 $0x1  }
0x15: {  	[smem:$0x3FB8] =	sst s0;
	s0 =	simm.s32 @!p2 $0x0  }
0x16: {  	s3 =	sld [smem:$0x3FDB];
	s0 =	simm.s32 @p2 $0x1  }
0x17: {  	s4 =	simm.s32 $0x1BF5;
	[smem:$0x3FBA] =	sst s0  }
0x18: {  	s0 =	sld [smem:$0x3F9D];
	_ =	swait.ge [sflag:s4], $0x0  }
0x19: {  	s7 =	sld [smem:$0x3F9E]  }
0x1a: {  	s8 =	sadd.s32 $0xFFFFE003, lr  }
0x1b: {  	s9 =	sadd.s32 $0xFFFFFEF7, lr;
	s5 =	simm.s32 $0xFFFFFFFF;
	p2 =	slt.u32 s8, $0xFFFFF086  }
0x1c: {  	p1 =	slt.u32 s9, $0xF7A;
	s5 =	simm.s32 @!p2 $0x0  }
0x1d: {  	s5 =	simm.s32 @p1 $0x1;
	p0 =	seq.s32 s7, s2  }
0x1e: {  	s7 =	smul.u32 @!p0 $0xF7A, s2;
	p2 =	seq.s32 @!p0 s5, $0x0  }
0x1f: {  	s9 =	smul.u32 $0xF7A, s1;
	s8 =	simm.s32 @!p0 $0x1BF5;
	p2 =	por !p2, p0  }
0x20: {  	[sflag:s8] =	ssyncset.s32 @!p0 $0xFFFFF086;
	s6 =	sadd.s32 @!p0 s3, s7;
	s7 =	simm.s32 @!p0 $0x108  }
0x21: {  	s3 =	sadd.s32 s3, s9;
	s6 =	sadd.s32 @!p0 $0x88, s6;
	s7 =	simm.s32 @p2 $0x1082  }
0x22: {  	[simem:s7], [sflag:s8] =	dma.local @!p0 [hbm:s6], $0xF7A  }
0x23: {  	s9 =	sor.u32 $0xD0000000, s2;
	s6 =	simm.s32 $0x108;
	_ =	swait.ge @!p0 [sflag:s8], $0x0  }
0x24: {  	s3 =	sadd.s32 $0x88, s3;
	s6 =	simm.s32 @!p1 $0x1082;
	[sflag:s4] =	ssyncset.s32 $0xFFFFF086  }
0x25: {  	[simem:s6], [sflag:s4] =	dma.local [hbm:s3], $0xF7A  }
0x26: {  	[smem:$0x3F9E] =	sst s1;
	(tag) =	ssettag s2;
	_ =	strace s9  }
0x27: {  	s1 =	sld [smem:$0x3FAE]  }
0x28: {  	s2 =	sld [smem:$0x3FAF]  }
0x29: {  	s4 =	sld [smem:$0x3FB1]  }
0x2a: {  	p0 =	seq.s32 s5, $0x0;
	s5 =	sld [smem:$0x3FB2]  }
0x2b: {  	s6 =	sld [smem:$0x3FB3]  }
0x2c: {  	s7 =	sld [smem:$0x3FB4]  }
0x2d: {  	s3 =	simm.s32 $0x108;
	s8 =	sld [smem:$0x3FB5]  }
0x2e: {  	s3 =	simm.s32 @!p0 $0x1082;
	s9 =	sld [smem:$0x3FB6]  }
0x2f: {  	lr =	sadd.s32 s0, s3;
	s0 =	sld [smem:$0x3FAD]  }
0x30: {  	s3 =	sld [smem:$0x3FB0]  }
0x31: {  	[smem:$0x3FB9] =	sst s10  }
0x32: {  	s10 =	sld [smem:$0x3FB7];
	_ =	sdelay $0x3  }
0x33: {  	p0 =	seq.s32 s10, $0x1;
	s10 =	sld [smem:$0x3FB9];
	_ =	sdelay $0x3  }
0x34: {  	[smem:$0x3FB9] =	sst s10  }
0x35: {  	s10 =	sld [smem:$0x3FB8];
	_ =	sdelay $0x3  }
0x36: {  	p1 =	seq.s32 s10, $0x1;
	s10 =	sld [smem:$0x3FB9];
	_ =	sdelay $0x3  }
0x37: {  	[smem:$0x3FB9] =	sst s10  }
0x38: {  	s10 =	sld [smem:$0x3FBA]  }
0x39: {  	_ = 	snop;
	(pc) =	sbr.ind lr, $3  }
0x3a: {  	_ = 	snop  }
0x3b: {  	_ = 	snop  }
0x3c: {  	p2 =	seq.s32 s10, $0x1;
	s10 =	sld [smem:$0x3FB9]  }
0x3d: {  	_ =	shalt  }
0x3e: {  	_ =	shalt  }
0x3f: {  	_ =	shalt  }
0x40: {  	_ =	shalt  }
0x41: {  	_ =	shalt  }
0x42: {  	_ =	shalt  }
0x43: {  	_ =	shalt  }
0x44: {  	_ =	shalt  }
0x45: {  	_ =	shalt  }
0x46: {  	_ =	shalt  }
0x47: {  	_ =	shalt  }
0x48: {  	_ =	shalt  }
0x49: {  	_ =	shalt  }
0x4a: {  	_ =	shalt  }
0x4b: {  	_ =	shalt  }
0x4c: {  	_ =	shalt  }
0x4d: {  	_ =	shalt  }
0x4e: {  	_ =	shalt  }
0x4f: {  	_ =	shalt  }
0x50: {  	_ =	shalt  }
0x51: {  	_ =	shalt  }
0x52: {  	_ =	shalt  }
0x53: {  	_ =	shalt  }
0x54: {  	_ =	shalt  }
0x55: {  	_ =	shalt  }
0x56: {  	_ =	shalt  }
0x57: {  	_ =	shalt  }
0x58: {  	_ =	shalt  }
0x59: {  	_ =	shalt  }
0x5a: {  	_ =	shalt  }
0x5b: {  	_ =	shalt  }
0x5c: {  	_ =	shalt  }
0x5d: {  	_ =	shalt  }
0x5e: {  	_ =	shalt  }
0x5f: {  	_ =	shalt  }
0x60: {  	_ =	shalt  }
0x61: {  	_ =	shalt  }
0x62: {  	_ =	shalt  }
0x63: {  	_ =	shalt  }
0x64: {  	_ =	shalt  }
0x65: {  	_ =	shalt  }
0x66: {  	_ =	shalt  }
0x67: {  	_ =	shalt  }
0x68: {  	_ =	shalt  }
0x69: {  	_ =	shalt  }
0x6a: {  	_ =	shalt  }
0x6b: {  	_ =	shalt  }
0x6c: {  	_ =	shalt  }
0x6d: {  	_ =	shalt  }
0x6e: {  	_ =	shalt  }
0x6f: {  	_ =	shalt  }
0x70: {  	_ =	shalt  }
0x71: {  	_ =	shalt  }
0x72: {  	_ =	shalt  }
0x73: {  	_ =	shalt  }
0x74: {  	_ =	shalt  }
0x75: {  	_ =	shalt  }
0x76: {  	_ =	shalt  }
0x77: {  	_ =	shalt  }
0x78: {  	_ =	shalt  }
0x79: {  	_ =	shalt  }
0x7a: {  	_ =	shalt  }
0x7b: {  	_ =	shalt  }
0x7c: {  	_ =	shalt  }
0x7d: {  	_ =	shalt  }
0x7e: {  	_ =	shalt  }
0x7f: {  	_ =	shalt  }
0x80: {  	_ =	shalt  }
0x81: {  	_ =	shalt  }
0x82: {  	_ =	shalt  }
0x83: {  	_ =	shalt  }
0x84: {  	_ =	shalt  }
0x85: {  	_ =	shalt  }
0x86: {  	_ =	shalt  }
0x87: {  	_ =	shalt  }
.Lfunc_end0:
.L_simem_size_0:
called_computation_lowered:
.L_overlay_start_0:
0x88: {  	s2 =	sld [smem:$0x3FD9]  }
0x89: {  	s3 =	sld [smem:$0x3FFE];
	_ =	sdelay $0x1  }
0x8a: {  	s1 =	srdreg.scid  }
0x8b: {  	s0 =	sand.u32 $0x1, s1  }
0x8c: {  	s18 =	sshll.u32 s0, $0xA;
	s2 =	sadd.s32 s3, s2  }
0x8d: {  	s2 =	sadd.s32 s2, s18  }
0x8e: {  	[smem:$0x3FC5] =	sst s2  }
0x8f: {  	_ = 	snop  }
0x90: {  	s2 =	sld [smem:$0x3FC9]  }
0x91: {  	s19 =	sld [smem:$0x3FC8]  }
0x92: {  	s4 =	sld [smem:$0x3FD0];
	(tm) =	ssettm $0x1  }
0x93: {  	s5 =	sld [smem:$0x3FFB];
	_ =	sdelay $0x3  }
0x94: {  	_ =	strace s5  }
0x95: {  	s5 =	sld [smem:$0x3FFC];
	_ =	sdelay $0x3  }
0x96: {  	_ =	strace s5  }
0x97: {  	s5 =	sld [smem:$0x3FFD];
	_ =	sdelay $0x3  }
0x98: {  	_ =	strace s5  }
0x99: {  	_ =	strace $0x8FFFFFFF  }
0x9a: {  	s20 =	sld [smem:$0x3FDB];
	_ =	sdelay $0x1  }
0x9b: {  	s6 =	simm.s32 $_scs_section_size  }
0x9c: {  	s7 =	simm.s32 $_size__tile_overlayer_lowered;
	s8 =	simm.s32 $_tile_overlayer_lowered  }
0x9d: {  	s23 =	simm.s32 $0x1BFF;
	s22 =	sshll.u32 s8, $0x1;
	s5 =	sadd.s32 s6, s20  }
0x9e: {  	s9 =	simm.s32 $0x0;
	s21 =	sshll.u32 s7, $0x1;
	s7 =	sadd.s32 s22, s5  }
0x9f: {  	[timem:s9], [sflag:s23] =	dma.local [hbm:s7], s21  }
0xa0: {  	_ =	swait.ge [sflag:s23], s21  }
0xa1: {  	s6 =	ssub.s32 $0x0, s21;
	[sflag:s23] =	ssyncset.done $0x0  }
0xa2: {  	[sflag:s23] =	ssyncadd.s32 s6;
	_ =	sdelay $0x1  }
0xa3: {  	s24 =	simm.s32 $0x1B8B  }
0xa4: {  	_ =	swait.ge [sflag:s24], $0x1  }
0xa5: {  	[sflag:s24] =	ssyncset.done $0x0  }
0xa6: {  	s25 =	simm.s32 $0x1B8E;
	[sflag:s24] =	ssyncadd.s32 $0xFFFFFFFF  }
0xa7: {  	s26 =	simm.s32 $execute0_lowered;
	[smem:$0x3FD2] =	sst s25  }
0xa8: {  	s6 =	sshll.u32 s26, $0x1;
	_ =	strace $0x80000046;
	[dreg:$0x1] =	wrdreg $0xFFFFFFFF  }
0xa9: {  	s28 =	simm.s32 $_size_execute0_lowered;
	s5 =	sadd.s32 s5, s6;
	[dreg:$0x0] =	wrdreg $0x0  }
0xaa: {  	s6 =	sshll.u32 s28, $0x1;
	[dreg:$0x2] =	wrdreg s5  }
0xab: {  	[dreg:$0x3] =	wrdreg s6  }
0xac: {  	[dreg:$0x4] =	wrdreg $0xC0  }
0xad: {  	_ =	task [dreg:s9], $0x5FFFF  }
0xae: {  	[dreg:$0x1] =	wrdreg $0xFFFFFFFF  }
0xaf: {  	[dreg:$0x0] =	wrdreg $0x60  }
0xb0: {  	[dreg:$0x2] =	wrdreg s19  }
0xb1: {  	[dreg:$0x3] =	wrdreg s2  }
0xb2: {  	[dreg:$0x4] =	wrdreg s4  }
0xb3: {  	[dreg:$0x5] =	wrdreg $0xEF800  }
0xb4: {  	[dreg:$0x6] =	wrdreg $0x9  }
0xb5: {  	_ =	task.clear_ibuf [dreg:s9], $0x7FFFF;
	_ =	strace $0x90000046  }
0xb6: {  	s29 =	simm.s32 $0x9;
	_ =	strace $0x80000048  }
0xb7: {  	_ =	swait.ge [sflag:s29], $0x1  }
0xb8: {  	[sflag:s29] =	ssyncadd.s32 $0xFFFFFFFF  }
0xb9: {  	_ =	strace $0x90000048  }
0xba: {  	_ =	sfence  }
0xbb: {  	s30 =	sld [smem:$0x0];
	_ =	sdelay $0x2  }
0xbc: {  	s31 =	sshll.u32 s1, $0xD;
	s1 =	sshrl.u32 s1, $0x2  }
0xbd: {  	s3 =	sand.u32 $0x4000, s31;
	s1 =	sadd.s32 s1, s30  }
0xbe: {  	s0 =	sor.u32 s3, s0;
	s1 =	sshll.u32 s1, $0x11  }
0xbf: {  	s0 =	sor.u32 s1, s0  }
0xc0: {  	s0 =	sadd.s32 $0x8F2B, s0  }
0xc1: {  	[sflag:s0] =	ssyncadd.remote.s32 $0x1  }
0xc2: {  	_ =	sfence.sel $0xFFFF  }
0xc3: {  	[dreg:$0x0] =	wrdreg $0xFFFFFFFF;
	(pc) =	sbr.abs _section_cstart, $3  }
0xc4: {  	[dreg:$0x1] =	wrdreg $0xFFFFFFFF  }
0xc5: {  	_ =	task.clear_ibuf [dreg:s9], $0x2FFFF;
	_ =	strace $0x9FFFFFFF  }
0xc6: {  	(tm) =	ssettm $0x7FFFFFFF  }
0xc7: {  	_ =	shalt  }
tec
execute0_lowered:
.L_overlay_start_1:
0x0: {  	(tag) =	ssettag $0x1  }
0x1: {  	s0 =	rddreg [dreg:$0x0];
	s1 =	srdreg.scid  }
0x2: {  	s2 =	rddreg [dreg:$0x2];
	s13 =	stileid.u32;
	s1 =	sand.u32 $0x1, s1  }
0x3: {  	s9 =	smul.u32 $0x5000, s13;
	s4 =	sshll.u32 s1, $0x4;
	s6 =	ssub.s32 $0x2, s1  }
0x4: {  	s3 =	rddreg [dreg:$0x3];
	s5 =	sor.u32 s13, s4;
	s8 =	sshrl.u32 s6, $0x1  }
0x5: {  	s4 =	simm.s32 $0x0;
	s8 =	ssub.s32 s6, s8;
	s6 =	sadd.s32 s9, s3  }
0x6: {  	s16 =	smul.u32 $0x2710, s13;
	[smem:$0x7FF] =	sst s4;
	s19 =	sadd.s32 $0x1000, s6  }
0x7: {  	_ =	strace $0x80000047;
	s20 =	sadd.s32 $0x2000, s6;
	[dreg:$0x6] =	wrdreg s19  }
0x8: {  	s5 =	smul.u32 $0x2710, s5;
	s11 =	sadd.s32 $0x3000, s6;
	[dreg:$0x7] =	wrdreg s20  }
0x9: {  	s29 =	smul.u32 $0x27100, s1;
	s22 =	sadd.s32 $0x4000, s6;
	[dreg:$0x8] =	wrdreg s11  }
0xa: {  	s7 =	sand.u32 $0x7FF80, s5;
	[dreg:$0x9] =	wrdreg s22  }
0xb: {  	s19 =	sadd.s32 s16, s29;
	s29 =	sadd.s32 $0x2800, s6;
	s7 =	smin.u32 s7, $0x4BA00  }
0xc: {  	s31 =	sadd.s32 $0x3C00, s6;
	[dreg:$0x14] =	wrdreg s29;
	s17 =	sshrl.u32 s7, $0x2  }
0xd: {  	s10 =	ssub.s32 s5, s7;
	s5 =	sand.u32 $0x70, s5;
	s0 =	sadd.s32 s0, s17  }
0xe: {  	s18 =	sadd.s32 $0x7C0, s10;
	s23 =	sadd.s32 $0xF90, s10;
	s25 =	sadd.s32 $0x1760, s10  }
0xf: {  	s15 =	sadd.s32 $0x1F30, s10;
	s10 =	sshll.u32 s10, $0x1;
	[dreg:$0x5] =	wrdreg s0  }
0x10: {  	s21 =	sshll.u32 s18, $0x1;
	s0 =	sand.u32 $0x70, s18;
	s24 =	sshll.u32 s23, $0x1  }
0x11: {  	s12 =	sshll.u32 s25, $0x1;
	s11 =	sand.u32 $0x70, s25;
	s18 =	smul.u32 $0x50000, s1  }
0x12: {  	s26 =	sshll.u32 s15, $0x1;
	s28 =	sand.u32 $0x70, s15;
	s1 =	smul.u32 $0x4E200, s1  }
0x13: {  	s25 =	smax.u32 s8, $0x1;
	s8 =	simm.s32 $0x7780;
	s7 =	sand.u32 $0xFFFFFF00, s21  }
0x14: {  	s12 =	sand.u32 $0xFFFFFF00, s12;
	[dreg:$0x11] =	wrdreg s25;
	s7 =	sor.u32 s0, s7  }
0x15: {  	s0 =	sand.u32 $0x70, s23;
	s12 =	sor.u32 s11, s12;
	s20 =	sadd.s32 s9, s18  }
0x16: {  	s18 =	smul.u32 $0x4E20, s13;
	s9 =	simm.s32 $0x8780;
	[dreg:$0xa] =	wrdreg s7  }
0x17: {  	s7 =	sadd.s32 $0x2780, s7;
	[dreg:$0xd] =	wrdreg s12;
	s21 =	sadd.s32 $0x2780, s12  }
0x18: {  	s12 =	simm.s32 $0x3;
	[dreg:$0xb] =	wrdreg s7;
	s7 =	sand.u32 $0xFFFFFF00, s24  }
0x19: {  	[dreg:$0xf] =	wrdreg s21;
	s14 =	sor.u32 s0, s7;
	s0 =	sand.u32 $0xFFFFFF00, s26  }
0x1a: {  	s7 =	sand.u32 $0x7FF80, s19;
	s26 =	sadd.s32 $0x1400, s6;
	s15 =	sor.u32 s28, s0  }
0x1b: {  	s0 =	sand.u32 $0xFFFFFF00, s10;
	[dreg:$0xc] =	wrdreg s14;
	s14 =	sadd.s32 $0x2780, s14  }
0x1c: {  	s7 =	smin.u32 s7, $0x4BA00;
	[dreg:$0x12] =	wrdreg s26;
	s10 =	simm.s32 $0xDB80  }
0x1d: {  	[dreg:$0xe] =	wrdreg s14;
	s17 =	sor.u32 s5, s0;
	s5 =	sshrl.u32 s20, $0x3  }
0x1e: {  	s22 =	sshll.u32 s7, $0x1;
	s21 =	ssub.s32 s19, s7;
	s24 =	sadd.s32 $0x2780, s15  }
0x1f: {  	s0 =	simm.s32 $0x1;
	s7 =	simm.s32 $0x7D0;
	s20 =	sadd.s32 s2, s5  }
0x20: {  	s23 =	ssub.s32 s1, s22;
	s1 =	sadd.s32 s18, s1;
	[dreg:$0x10] =	wrdreg s24  }
0x21: {  	s5 =	simm.s32 $0x2;
	s22 =	ssub.s32 s1, s22;
	s25 =	sor.u32 $0x20, s23  }
0x22: {  	s28 =	sadd.s32 $0x280, s20;
	s30 =	sadd.s32 $0x500, s20;
	s2 =	sadd.s32 $0x780, s20  }
0x23: {  	v0 =	vimm.f32 $0.0e+00;
	v1 =	vimm.f32 $1.000000000e+00;
	s1 =	simm.s32 $0x8F80;
	s23 =	simm.s32 $0x0;
	[dreg:$0x13] =	wrdreg s28  }
.LBB2_1:
0x24: {  	s11 =	rddreg [dreg:$0x1]  }
0x25: {  	[tilespmem:s4], [sflag:$0x1] =	stream.linear.gather [hbm4b:s11+s4], $0x2780, $0x38;
	[tilespmem:$0x13F80] =	vst v63  }
0x26: {  	s29 =	rddreg [dreg:$0x5];
	s13 =	simm.s32 $0x2780;
	s16 =	simm.s32 $0x8FA0  }
0x27: {  	[tilespmem:s13], [sflag:$0x1] =	stream.linear.gather [hbm4b:s29+s4], $0x5000, $0x38;
	[tilespmem:$0x13F80] =	vst v63  }
0x28: {  	[tilespmem:s16+$0xFFFFFFE0] =	vst v0  }
0x29: {  	[tilespmem:s16+$0x10] =	vst v0  }
0x2a: {  	s19 =	simm.s32 $0x0;
	[tilespmem:s16+$0x0] =	vst v0  }
.LBB2_2:
0x2b: {  	s19 =	sadd.s32 $0x40, s19  }
0x2c: {  	[tilespmem:s16+$0xFFFFFFF0] =	vst v0;
	s16 =	sadd.s32 $0x40, s16;
	p0 =	slt.u32 s19, $0xFC0  }
.Ltmp0:
0x2d: {  	[tilespmem:s16+$0xFFFFFFE0] =	vst v0;
	(pc) =	sbr.rel @p0 .LBB2_2-.Ltmp0, $3  }
0x2e: {  	_ =	sdelay $0x1  }
0x2f: {  	[tilespmem:s16+$0x10] =	vst v0  }
0x30: {  	[tilespmem:s16+$0x0] =	vst v0  }
0x31: {  	[tilespmem:s16+$0xFFFFFFF0] =	vst v0  }
0x32: {  	[spmem:s6] =	stream.linear.scatter [tilespmem:s1], [sflag:$0x2], $0x1000, $0x38;
	[tilespmem:$0x13F80] =	vst v63  }
0x33: {  	s11 =	rddreg [dreg:$0x6]  }
0x34: {  	[spmem:s11] =	stream.linear.scatter [tilespmem:s1], [sflag:$0x2], $0x1000, $0x38;
	[tilespmem:$0x13F80] =	vst v63  }
0x35: {  	s26 =	rddreg [dreg:$0x7]  }
0x36: {  	[spmem:s26] =	stream.linear.scatter [tilespmem:s1], [sflag:$0x2], $0x1000, $0x38;
	[tilespmem:$0x13F80] =	vst v63  }
0x37: {  	s28 =	rddreg [dreg:$0x8]  }
0x38: {  	[spmem:s28] =	stream.linear.scatter [tilespmem:s1], [sflag:$0x2], $0x1000, $0x38;
	[tilespmem:$0x13F80] =	vst v63  }
0x39: {  	s16 =	simm.s32 $0x87A0;
	s29 =	rddreg [dreg:$0x9]  }
0x3a: {  	[spmem:s29] =	stream.linear.scatter [tilespmem:s1], [sflag:$0x2], $0x1000, $0x38;
	[tilespmem:$0x13F80] =	vst v63  }
0x3b: {  	[tilespmem:s16+$0xFFFFFFE0] =	vst v1  }
0x3c: {  	[tilespmem:s16+$0x10] =	vst v1  }
0x3d: {  	s19 =	simm.s32 $0x0;
	[tilespmem:s16+$0x0] =	vst v1  }
.LBB2_4:
0x3e: {  	s19 =	sadd.s32 $0x40, s19  }
0x3f: {  	[tilespmem:s16+$0xFFFFFFF0] =	vst v1;
	s16 =	sadd.s32 $0x40, s16;
	p0 =	slt.u32 s19, $0x780  }
.Ltmp1:
0x40: {  	[tilespmem:s16+$0xFFFFFFE0] =	vst v1;
	(pc) =	sbr.rel @p0 .LBB2_4-.Ltmp1, $3  }
0x41: {  	_ =	sdelay $0x1  }
0x42: {  	[tilespmem:s16+$0x10] =	vst v1  }
0x43: {  	[tilespmem:s16+$0x0] =	vst v1  }
0x44: {  	[tilespmem:s16+$0xFFFFFFF0] =	vst v1  }
0x45: {  	[tilespmem:$0x8F40] =	vst v1  }
0x46: {  	_ =	swait.ge [sflag:s0], $0x2780  }
0x47: {  	s28 =	sadd.s32 $0xFFFFFFE0, s21;
	s19 =	sadd.s32 s25, s18;
	[sflag:s0] =	ssyncset.done $0x0  }
0x48: {  	s24 =	sadd.s32 $0x30, s28;
	s16 =	sadd.s32 $0x20, s28;
	[sflag:s0] =	ssyncadd.s32 $0xFFFFD880  }
0x49: {  	s26 =	sand.u32 $0xFFFFFF00, s19;
	s19 =	sadd.s32 $0xFFFFFFE0, s19;
	_ =	swait.ge [sflag:s0], $0x5000  }
0x4a: {  	s24 =	sand.u32 $0x70, s24;
	s16 =	sand.u32 $0x70, s16;
	[sflag:s0] =	ssyncset.done $0x0  }
0x4b: {  	s19 =	sand.u32 $0xFFFFFF00, s19;
	s24 =	sor.u32 s24, s26;
	[sflag:s0] =	ssyncadd.s32 $0xFFFFB000  }
0x4c: {  	s16 =	sor.u32 s16, s19;
	v2 =	vld [tilespmem:s24+$0x2780]  }
0x4d: {  	s29 =	sadd.s32 $0x40, s25;
	s11 =	sadd.s32 $0x0, s21;
	v3 =	vld [tilespmem:s16+$0x2800]  }
0x4e: {  	s13 =	sadd.s32 s29, s18;
	s14 =	sadd.s32 $0x30, s11;
	v5 =	vld [tilespmem:s16+$0x2780]  }
0x4f: {  	s28 =	sand.u32 $0xFFFFFF00, s13;
	s26 =	sand.u32 $0x70, s14;
	v4 =	vld [tilespmem:s24+$0x2800]  }
0x50: {  	s26 =	sor.u32 s26, s28;
	s24 =	sadd.s32 $0x20, s11;
	s16 =	sadd.s32 $0xFFFFFFE0, s13  }
0x51: {  	v6 =	vld [tilespmem:s26+$0x2780];
	s24 =	sand.u32 $0x70, s24;
	s16 =	sand.u32 $0xFFFFFF00, s16  }
0x52: {  	s16 =	sor.u32 s24, s16  }
0x53: {  	v9 =	vld [tilespmem:s16+$0x2800];
	v7 =	vmul.u32 $0x6667, v3  }
0x54: {  	v10 =	vld [tilespmem:s26+$0x2800];
	v8 =	vmul.u32 $0x6667, v4  }
0x55: {  	v7 =	vshra.s32 v7, $0x1A;
	v2 =	vld.idx.msk [tilespmem:v2+s4+$0x0], $0xffff  }
0x56: {  	s26 =	sadd.s32 $0x20, s21;
	s24 =	sadd.s32 $0x40, s29;
	v8 =	vshra.s32 v8, $0x1A;
	v11 =	vmul.u32 $0x1FFF600, v7;
	v13 =	vld.idx.msk [tilespmem:v5+s4+$0x0], $0xffff  }
0x57: {  	s11 =	sadd.s32 $0x30, s26;
	s29 =	sadd.s32 s24, s18;
	v12 =	vmul.u32 $0x1FFF600, v8;
	v14 =	vshll.u32 v7, $0x5;
	v7 =	vld [tilespmem:s16+$0x2780]  }
0x58: {  	s13 =	sand.u32 $0x70, s11;
	s14 =	sand.u32 $0xFFFFFF00, s29;
	v3 =	vadd.s32 v3, v11;
	v11 =	vmul.u32 $0x6667, v9  }
0x59: {  	s19 =	sadd.s32 $0x20, s26;
	s26 =	sadd.s32 $0xFFFFFFE0, s29;
	s28 =	sor.u32 s13, s14;
	v5 =	vld.idx.msk [tilespmem:v6+s4+$0x0], $0xffff;
	v15 =	vshll.u32 v3, $0x7;
	v3 =	vadd.s32 v4, v12;
	v4 =	vmul.u32 $0x6667, v10  }
0x5a: {  	s19 =	sand.u32 $0x70, s19;
	s29 =	sand.u32 $0xFFFFFF00, s26;
	v8 =	vshll.u32 v8, $0x5;
	v12 =	vshll.u32 v3, $0x7;
	v11 =	vshra.s32 v11, $0x1A;
	v3 =	vld [tilespmem:s28+$0x2780]  }
0x5b: {  	s26 =	sor.u32 s19, s29;
	v2 =	vor.u32 v2, v8;
	v16 =	vmul.u32 $0x1FFF600, v11;
	v17 =	vshra.s32 v4, $0x1A  }
0x5c: {  	s16 =	simm.s32 $0x7790;
	v6 =	vld [tilespmem:s26+$0x2800];
	v4 =	vor.u32 v13, v14;
	v2 =	vor.u32 v12, v2;
	v63 =	vmul.u32 $0x1FFF600, v17  }
0x5d: {  	v8 =	vld [tilespmem:s28+$0x2800];
	v13 =	vor.u32 v15, v4;
	[tilespmem:s16+$0x0] =	vst v2;
	v2 =	vshll.u32 v11, $0x5;
	v11 =	vadd.s32 v9, v16  }
0x5e: {  	s24 =	sadd.s32 $0x40, s24;
	s19 =	simm.s32 $0x40;
	v9 =	vld [tilespmem:s26+$0x2780];
	[tilespmem:s16+$0xFFFFFFF0] =	vst v13;
	v4 =	vshll.u32 v11, $0x7;
	v11 =	vadd.s32 v10, v63;
	v10 =	vshll.u32 v17, $0x5  }
.LBB2_6:
0x5f: {  	s26 =	sadd.s32 s19, s21;
	s19 =	sadd.s32 $0x20, s19;
	v12 =	vld.idx.msk [tilespmem:v7+s4+$0x0], $0xffff;
	v7 =	vshll.u32 v11, $0x7;
	v5 =	vor.u32 v5, v10;
	s16 =	sadd.s32 $0x20, s16  }
0x60: {  	s28 =	sadd.s32 s24, s18;
	s13 =	sadd.s32 $0x30, s26;
	p0 =	slt.u32 s19, $0x7A0;
	v5 =	vor.u32 v7, v5  }
0x61: {  	s26 =	sadd.s32 $0x20, s26;
	s29 =	sand.u32 $0xFFFFFF00, s28;
	s13 =	sand.u32 $0x70, s13;
	v13 =	vmul.u32 $0x6667, v6;
	[tilespmem:s16+$0x0] =	vst v5;
	v10 =	vmov v6  }
0x62: {  	s28 =	sadd.s32 $0xFFFFFFE0, s28;
	s26 =	sand.u32 $0x70, s26;
	s13 =	sor.u32 s13, s29;
	v5 =	vld.idx.msk [tilespmem:v3+s4+$0x0], $0xffff;
	v6 =	vmul.u32 $0x6667, v8;
	v11 =	vmov v8  }
.Ltmp2:
0x63: {  	s28 =	sand.u32 $0xFFFFFF00, s28;
	v3 =	vld [tilespmem:s13+$0x2780];
	v8 =	vshra.s32 v13, $0x1A;
	v7 =	vmov v9;
	(pc) =	sbr.rel @p0 .LBB2_6-.Ltmp2, $4  }
0x64: {  	s26 =	sor.u32 s26, s28;
	v9 =	vmul.u32 $0x1FFF600, v8;
	v8 =	vshll.u32 v8, $0x5;
	v13 =	vshra.s32 v6, $0x1A  }
0x65: {  	v12 =	vor.u32 v12, v2;
	v6 =	vld [tilespmem:s26+$0x2800];
	v14 =	vmul.u32 $0x1FFF600, v13;
	v2 =	vmov v8  }
0x66: {  	v12 =	vor.u32 v4, v12;
	v8 =	vld [tilespmem:s13+$0x2800];
	v10 =	vadd.s32 v10, v9  }
0x67: {  	s24 =	sadd.s32 $0x40, s24;
	v9 =	vld [tilespmem:s26+$0x2780];
	v4 =	vshll.u32 v10, $0x7;
	v11 =	vadd.s32 v11, v14;
	v10 =	vshll.u32 v13, $0x5;
	[tilespmem:s16+$0xFFFFFFF0] =	vst v12  }
0x68: {  	_ =	sdelay $0x4  }
0x69: {  	v7 =	vld.idx.msk [tilespmem:v7+s4+$0x0], $0xffff  }
0x6a: {  	v13 =	vmul.u32 $0x6667, v8  }
0x6b: {  	v3 =	vld.idx.msk [tilespmem:v3+s4+$0x0], $0xffff;
	v12 =	vmul.u32 $0x6667, v6  }
0x6c: {  	v11 =	vshll.u32 v11, $0x7;
	v5 =	vor.u32 v5, v10;
	v9 =	vld.idx.msk [tilespmem:v9+s4+$0x0], $0xffff;
	v13 =	vshra.s32 v13, $0x1A  }
0x6d: {  	v5 =	vor.u32 v11, v5;
	v12 =	vshra.s32 v12, $0x1A;
	v14 =	vmul.u32 $0x1FFF600, v13  }
0x6e: {  	v10 =	vmul.u32 $0x1FFF600, v12;
	v11 =	vshll.u32 v12, $0x5;
	v2 =	vor.u32 v7, v2  }
0x6f: {  	s13 =	sadd.s32 $0x20, s16;
	v2 =	vor.u32 v4, v2;
	v7 =	vadd.s32 v8, v14;
	v8 =	vshll.u32 v13, $0x5  }
0x70: {  	[tilespmem:s13+$0x0] =	vst v5;
	v6 =	vadd.s32 v6, v10;
	v4 =	vshll.u32 v7, $0x7;
	v3 =	vor.u32 v3, v8  }
0x71: {  	[tilespmem:s13+$0xFFFFFFF0] =	vst v2;
	s13 =	sadd.s32 $0x20, s13;
	v5 =	vshll.u32 v6, $0x7;
	v2 =	vor.u32 v4, v3;
	v3 =	vor.u32 v9, v11  }
0x72: {  	[tilespmem:s13+$0x0] =	vst v2;
	v2 =	vor.u32 v5, v3  }
0x73: {  	[tilespmem:s13+$0xFFFFFFF0] =	vst v2  }
0x74: {  	s11 =	rddreg [dreg:$0xa]  }
0x75: {  	v2 =	vld [tilespmem:s11+$0x2780]  }
0x76: {  	s29 =	rddreg [dreg:$0xb]  }
0x77: {  	v3 =	vld [tilespmem:s29+$0x80];
	_ =	sdelay $0x4  }
0x78: {  	v4 =	vmul.u32 $0x6667, v3  }
0x79: {  	v2 =	vld.idx.msk [tilespmem:v2+s4+$0x0], $0xffff  }
0x7a: {  	v4 =	vshra.s32 v4, $0x1A  }
0x7b: {  	v5 =	vmul.u32 $0x1FFF600, v4;
	_ =	sdelay $0x1  }
0x7c: {  	v4 =	vshll.u32 v4, $0x5;
	v3 =	vadd.s32 v3, v5  }
0x7d: {  	v3 =	vshll.u32 v3, $0x7;
	v2 =	vor.u32 v2, v4  }
0x7e: {  	v2 =	vor.u32 v3, v2  }
0x7f: {  	[tilespmem:$0x7F40] =	vst v2  }
0x80: {  	_ =	swait.ge [sflag:s5], $0x1000  }
0x81: {  	[sflag:s5] =	ssyncset.done $0x0  }
0x82: {  	[sflag:s5] =	ssyncadd.s32 $0xFFFFF000  }
0x83: {  	_ =	swait.ge [sflag:s5], $0x1000  }
0x84: {  	[sflag:s5] =	ssyncset.done $0x0  }
0x85: {  	[sflag:s5] =	ssyncadd.s32 $0xFFFFF000  }
0x86: {  	_ =	swait.ge [sflag:s5], $0x1000  }
0x87: {  	[sflag:s5] =	ssyncset.done $0x0  }
0x88: {  	[sflag:s5] =	ssyncadd.s32 $0xFFFFF000  }
0x89: {  	_ =	swait.ge [sflag:s5], $0x1000  }
0x8a: {  	[sflag:s5] =	ssyncset.done $0x0  }
0x8b: {  	s19 =	sadd.s32 $0xFC0, s22;
	s24 =	sadd.s32 $0xFA0, s22;
	[sflag:s5] =	ssyncadd.s32 $0xFFFFF000  }
0x8c: {  	s19 =	sand.u32 $0xFFFFFF00, s19;
	s11 =	sadd.s32 $0xFFFFFFE0, s21;
	_ =	swait.ge [sflag:s5], $0x1000  }
0x8d: {  	s24 =	sand.u32 $0xFFFFFF00, s24;
	s14 =	sadd.s32 $0x800, s11;
	[sflag:s5] =	ssyncset.done $0x0  }
0x8e: {  	s13 =	sadd.s32 $0x7F0, s11;
	s16 =	sand.u32 $0x70, s14;
	[sflag:s5] =	ssyncadd.s32 $0xFFFFF000  }
0x8f: {  	s13 =	sand.u32 $0x70, s13;
	s16 =	sor.u32 s16, s19;
	[bflag:$0x0] =	sbarrier.arrive $0xFFFF  }
0x90: {  	[spmem:s3] =	stream.indirect.scatter.add.f32 [tilespmem:s9], [sflag:$0x3], $0x1, s8, s7, $0xb8;
	[tilespmem:$0x13F80] =	vst v63  }
0x91: {  	s13 =	sor.u32 s13, s24;
	v2 =	vld [tilespmem:s16+$0x2780]  }
0x92: {  	v3 =	vld [tilespmem:s13+$0x2800]  }
0x93: {  	s26 =	sadd.s32 $0x0, s21;
	v4 =	vld [tilespmem:s16+$0x2800];
	s16 =	sadd.s32 $0x40, s22  }
0x94: {  	s29 =	sadd.s32 $0x800, s26;
	v5 =	vld [tilespmem:s13+$0x2780];
	s11 =	sadd.s32 $0xFC0, s16  }
0x95: {  	s13 =	sand.u32 $0x70, s29;
	s24 =	sand.u32 $0xFFFFFF00, s11  }
0x96: {  	s19 =	sadd.s32 $0x7F0, s26;
	s26 =	sadd.s32 $0xFA0, s16;
	s13 =	sor.u32 s13, s24  }
0x97: {  	s19 =	sand.u32 $0x70, s19;
	s14 =	sand.u32 $0xFFFFFF00, s26;
	v6 =	vld [tilespmem:s13+$0x2780]  }
0x98: {  	s19 =	sor.u32 s19, s14  }
0x99: {  	v9 =	vld [tilespmem:s19+$0x2800];
	v7 =	vmul.u32 $0x6667, v3  }
0x9a: {  	v10 =	vld [tilespmem:s13+$0x2800];
	v8 =	vmul.u32 $0x6667, v4  }
0x9b: {  	v7 =	vshra.s32 v7, $0x1A;
	v2 =	vld.idx.msk [tilespmem:v2+s4+$0x0], $0xffff  }
0x9c: {  	s26 =	sadd.s32 $0x20, s21;
	s24 =	sadd.s32 $0x40, s16;
	v8 =	vshra.s32 v8, $0x1A;
	v11 =	vmul.u32 $0x1FFF600, v7;
	v61 =	vld.idx.msk [tilespmem:v5+s4+$0x0], $0xffff  }
0x9d: {  	s29 =	sadd.s32 $0x800, s26;
	s28 =	sadd.s32 $0xFC0, s24;
	v60 =	vmul.u32 $0x1FFF600, v8;
	v62 =	vshll.u32 v7, $0x5;
	v7 =	vld [tilespmem:s19+$0x2780]  }
0x9e: {  	s11 =	sand.u32 $0x70, s29;
	s14 =	sand.u32 $0xFFFFFF00, s28;
	v3 =	vadd.s32 v3, v11;
	v11 =	vmul.u32 $0x6667, v9  }
0x9f: {  	s13 =	sadd.s32 $0x7F0, s26;
	s28 =	sadd.s32 $0xFA0, s24;
	s26 =	sor.u32 s11, s14;
	v15 =	vshll.u32 v3, $0x7;
	v3 =	vadd.s32 v4, v60;
	v4 =	vmul.u32 $0x6667, v10;
	v5 =	vld.idx.msk [tilespmem:v6+s4+$0x0], $0xffff  }
0xa0: {  	s13 =	sand.u32 $0x70, s13;
	s29 =	sand.u32 $0xFFFFFF00, s28;
	v8 =	vshll.u32 v8, $0x5;
	v12 =	vshll.u32 v3, $0x7;
	v11 =	vshra.s32 v11, $0x1A;
	v3 =	vld [tilespmem:s26+$0x2780]  }
0xa1: {  	s13 =	sor.u32 s13, s29;
	v2 =	vor.u32 v2, v8;
	v16 =	vmul.u32 $0x1FFF600, v11;
	v17 =	vshra.s32 v4, $0x1A  }
0xa2: {  	s19 =	simm.s32 $0x7F90;
	v6 =	vld [tilespmem:s13+$0x2800];
	v4 =	vor.u32 v61, v62;
	v2 =	vor.u32 v12, v2;
	v63 =	vmul.u32 $0x1FFF600, v17  }
0xa3: {  	v8 =	vld [tilespmem:s26+$0x2800];
	v13 =	vor.u32 v15, v4;
	[tilespmem:s19+$0x0] =	vst v2;
	v2 =	vshll.u32 v11, $0x5;
	v11 =	vadd.s32 v9, v16  }
0xa4: {  	s28 =	sadd.s32 $0x40, s24;
	s26 =	simm.s32 $0x40;
	v9 =	vld [tilespmem:s13+$0x2780];
	[tilespmem:s19+$0xFFFFFFF0] =	vst v13;
	v4 =	vshll.u32 v11, $0x7;
	v11 =	vadd.s32 v10, v63;
	v10 =	vshll.u32 v17, $0x5  }
.LBB2_8:
0xa5: {  	s13 =	sadd.s32 s26, s21;
	s26 =	sadd.s32 $0x20, s26;
	v12 =	vld.idx.msk [tilespmem:v7+s4+$0x0], $0xffff;
	v7 =	vshll.u32 v11, $0x7;
	v5 =	vor.u32 v5, v10;
	s19 =	sadd.s32 $0x20, s19  }
0xa6: {  	s14 =	sadd.s32 $0xFC0, s28;
	s29 =	sadd.s32 $0x800, s13;
	p0 =	slt.u32 s26, $0x7A0;
	v5 =	vor.u32 v7, v5  }
0xa7: {  	s13 =	sadd.s32 $0x7F0, s13;
	s14 =	sand.u32 $0xFFFFFF00, s14;
	s29 =	sand.u32 $0x70, s29;
	v13 =	vmul.u32 $0x6667, v6;
	[tilespmem:s19+$0x0] =	vst v5;
	v10 =	vmov v6  }
0xa8: {  	s11 =	sadd.s32 $0xFA0, s28;
	s13 =	sand.u32 $0x70, s13;
	s14 =	sor.u32 s29, s14;
	v5 =	vld.idx.msk [tilespmem:v3+s4+$0x0], $0xffff;
	v6 =	vmul.u32 $0x6667, v8;
	v11 =	vmov v8  }
.Ltmp3:
0xa9: {  	s11 =	sand.u32 $0xFFFFFF00, s11;
	v3 =	vld [tilespmem:s14+$0x2780];
	v8 =	vshra.s32 v13, $0x1A;
	v7 =	vmov v9;
	(pc) =	sbr.rel @p0 .LBB2_8-.Ltmp3, $4  }
0xaa: {  	s11 =	sor.u32 s13, s11;
	v9 =	vmul.u32 $0x1FFF600, v8;
	v8 =	vshll.u32 v8, $0x5;
	v13 =	vshra.s32 v6, $0x1A  }
0xab: {  	v12 =	vor.u32 v12, v2;
	v6 =	vld [tilespmem:s11+$0x2800];
	v14 =	vmul.u32 $0x1FFF600, v13;
	v2 =	vmov v8  }
0xac: {  	v12 =	vor.u32 v4, v12;
	v8 =	vld [tilespmem:s14+$0x2800];
	v10 =	vadd.s32 v10, v9  }
0xad: {  	s28 =	sadd.s32 $0x40, s28;
	v9 =	vld [tilespmem:s11+$0x2780];
	v4 =	vshll.u32 v10, $0x7;
	v11 =	vadd.s32 v11, v14;
	v10 =	vshll.u32 v13, $0x5;
	[tilespmem:s19+$0xFFFFFFF0] =	vst v12  }
0xae: {  	_ =	sdelay $0x4  }
0xaf: {  	v7 =	vld.idx.msk [tilespmem:v7+s4+$0x0], $0xffff  }
0xb0: {  	v13 =	vmul.u32 $0x6667, v8  }
0xb1: {  	v3 =	vld.idx.msk [tilespmem:v3+s4+$0x0], $0xffff;
	v12 =	vmul.u32 $0x6667, v6  }
0xb2: {  	v11 =	vshll.u32 v11, $0x7;
	v5 =	vor.u32 v5, v10;
	v9 =	vld.idx.msk [tilespmem:v9+s4+$0x0], $0xffff;
	v13 =	vshra.s32 v13, $0x1A  }
0xb3: {  	v5 =	vor.u32 v11, v5;
	v12 =	vshra.s32 v12, $0x1A;
	v14 =	vmul.u32 $0x1FFF600, v13  }
0xb4: {  	v10 =	vmul.u32 $0x1FFF600, v12;
	v11 =	vshll.u32 v12, $0x5;
	v2 =	vor.u32 v7, v2  }
0xb5: {  	s11 =	sadd.s32 $0x20, s19;
	v2 =	vor.u32 v4, v2;
	v7 =	vadd.s32 v8, v14;
	v8 =	vshll.u32 v13, $0x5  }
0xb6: {  	[tilespmem:s11+$0x0] =	vst v5;
	v6 =	vadd.s32 v6, v10;
	v4 =	vshll.u32 v7, $0x7;
	v3 =	vor.u32 v3, v8  }
0xb7: {  	[tilespmem:s11+$0xFFFFFFF0] =	vst v2;
	s11 =	sadd.s32 $0x20, s11;
	v5 =	vshll.u32 v6, $0x7;
	v2 =	vor.u32 v4, v3;
	v3 =	vor.u32 v9, v11  }
0xb8: {  	[tilespmem:s11+$0x0] =	vst v2;
	v2 =	vor.u32 v5, v3  }
0xb9: {  	[tilespmem:s11+$0xFFFFFFF0] =	vst v2  }
0xba: {  	s11 =	rddreg [dreg:$0xc]  }
0xbb: {  	v2 =	vld [tilespmem:s11+$0x2780]  }
0xbc: {  	s14 =	rddreg [dreg:$0xe]  }
0xbd: {  	v3 =	vld [tilespmem:s14+$0x80];
	_ =	sdelay $0x4  }
0xbe: {  	v4 =	vmul.u32 $0x6667, v3  }
0xbf: {  	v2 =	vld.idx.msk [tilespmem:v2+s4+$0x0], $0xffff  }
0xc0: {  	v4 =	vshra.s32 v4, $0x1A  }
0xc1: {  	v5 =	vmul.u32 $0x1FFF600, v4;
	_ =	sdelay $0x1  }
0xc2: {  	v4 =	vshll.u32 v4, $0x5;
	v3 =	vadd.s32 v3, v5  }
0xc3: {  	s26 =	sadd.s32 $0xFFFFFFE0, s21;
	v3 =	vshll.u32 v3, $0x7;
	v2 =	vor.u32 v2, v4  }
0xc4: {  	s13 =	sadd.s32 $0xFD0, s26;
	v2 =	vor.u32 v3, v2  }
0xc5: {  	s19 =	simm.s32 $0x7F80;
	s29 =	sadd.s32 $0x1F40, s22;
	s13 =	sand.u32 $0x70, s13;
	[tilespmem:$0x8740] =	vst v2  }
0xc6: {  	[spmem:s3] =	stream.indirect.scatter.add.f32 [tilespmem:s9], [sflag:$0x3], $0x1, s19, s7, $0xb8;
	[tilespmem:$0x13F80] =	vst v63  }
0xc7: {  	s14 =	sadd.s32 $0x1F60, s22;
	s11 =	sadd.s32 $0xFC0, s26;
	_ =	swait.ge [sflag:s12], $0x7D0  }
0xc8: {  	s26 =	sand.u32 $0xFFFFFF00, s29;
	s14 =	sand.u32 $0xFFFFFF00, s14;
	[sflag:s12] =	ssyncset.done $0x0  }
0xc9: {  	s11 =	sand.u32 $0x70, s11;
	s13 =	sor.u32 s13, s14;
	[sflag:s12] =	ssyncadd.s32 $0xFFFFF830  }
0xca: {  	s11 =	sor.u32 s11, s26;
	v2 =	vld [tilespmem:s13+$0x2780]  }
0xcb: {  	s29 =	sadd.s32 $0x0, s21;
	v3 =	vld [tilespmem:s11+$0x2800]  }
0xcc: {  	s14 =	sadd.s32 $0xFD0, s29;
	s19 =	sadd.s32 $0x1F60, s16;
	v5 =	vld [tilespmem:s11+$0x2780]  }
0xcd: {  	v4 =	vld [tilespmem:s13+$0x2800];
	s11 =	sand.u32 $0x70, s14;
	s14 =	sand.u32 $0xFFFFFF00, s19  }
0xce: {  	s26 =	sadd.s32 $0x1F40, s16;
	s13 =	sadd.s32 $0xFC0, s29;
	s11 =	sor.u32 s11, s14  }
0xcf: {  	s29 =	sand.u32 $0xFFFFFF00, s26;
	s13 =	sand.u32 $0x70, s13;
	v6 =	vld [tilespmem:s11+$0x2780]  }
0xd0: {  	s13 =	sor.u32 s13, s29  }
0xd1: {  	v9 =	vld [tilespmem:s13+$0x2800];
	v7 =	vmul.u32 $0x6667, v3  }
0xd2: {  	v10 =	vld [tilespmem:s11+$0x2800];
	v8 =	vmul.u32 $0x6667, v4  }
0xd3: {  	v7 =	vshra.s32 v7, $0x1A;
	v2 =	vld.idx.msk [tilespmem:v2+s4+$0x0], $0xffff  }
0xd4: {  	s19 =	sadd.s32 $0x20, s21;
	v8 =	vshra.s32 v8, $0x1A;
	v11 =	vmul.u32 $0x1FFF600, v7;
	v61 =	vld.idx.msk [tilespmem:v5+s4+$0x0], $0xffff  }
0xd5: {  	s26 =	sadd.s32 $0xFD0, s19;
	s29 =	sadd.s32 $0x1F60, s24;
	v60 =	vmul.u32 $0x1FFF600, v8;
	v62 =	vshll.u32 v7, $0x5;
	v7 =	vld [tilespmem:s13+$0x2780]  }
0xd6: {  	s11 =	sadd.s32 $0xFC0, s19;
	s14 =	sand.u32 $0x70, s26;
	s19 =	sand.u32 $0xFFFFFF00, s29;
	v3 =	vadd.s32 v3, v11;
	v11 =	vmul.u32 $0x6667, v9  }
0xd7: {  	s26 =	sadd.s32 $0x1F40, s24;
	s13 =	sor.u32 s14, s19;
	v5 =	vld.idx.msk [tilespmem:v6+s4+$0x0], $0xffff;
	v15 =	vshll.u32 v3, $0x7;
	v3 =	vadd.s32 v4, v60;
	v4 =	vmul.u32 $0x6667, v10  }
0xd8: {  	s11 =	sand.u32 $0x70, s11;
	s29 =	sand.u32 $0xFFFFFF00, s26;
	v8 =	vshll.u32 v8, $0x5;
	v12 =	vshll.u32 v3, $0x7;
	v11 =	vshra.s32 v11, $0x1A;
	v3 =	vld [tilespmem:s13+$0x2780]  }
0xd9: {  	s11 =	sor.u32 s11, s29;
	v2 =	vor.u32 v2, v8;
	v16 =	vmul.u32 $0x1FFF600, v11;
	v17 =	vshra.s32 v4, $0x1A  }
0xda: {  	s19 =	simm.s32 $0x7790;
	v6 =	vld [tilespmem:s11+$0x2800];
	v4 =	vor.u32 v61, v62;
	v2 =	vor.u32 v12, v2;
	v63 =	vmul.u32 $0x1FFF600, v17  }
0xdb: {  	v8 =	vld [tilespmem:s13+$0x2800];
	v13 =	vor.u32 v15, v4;
	[tilespmem:s19+$0x0] =	vst v2;
	v2 =	vshll.u32 v11, $0x5;
	v11 =	vadd.s32 v9, v16  }
0xdc: {  	s28 =	sadd.s32 $0x40, s24;
	s26 =	simm.s32 $0x40;
	v9 =	vld [tilespmem:s11+$0x2780];
	[tilespmem:s19+$0xFFFFFFF0] =	vst v13;
	v4 =	vshll.u32 v11, $0x7;
	v11 =	vadd.s32 v10, v63;
	v10 =	vshll.u32 v17, $0x5  }
.LBB2_10:
0xdd: {  	s11 =	sadd.s32 s26, s21;
	s26 =	sadd.s32 $0x20, s26;
	v12 =	vld.idx.msk [tilespmem:v7+s4+$0x0], $0xffff;
	v7 =	vshll.u32 v11, $0x7;
	v5 =	vor.u32 v5, v10;
	s19 =	sadd.s32 $0x20, s19  }
0xde: {  	s14 =	sadd.s32 $0x1F60, s28;
	s13 =	sadd.s32 $0xFD0, s11;
	p0 =	slt.u32 s26, $0x7A0;
	v5 =	vor.u32 v7, v5  }
0xdf: {  	s11 =	sadd.s32 $0xFC0, s11;
	s14 =	sand.u32 $0xFFFFFF00, s14;
	s13 =	sand.u32 $0x70, s13;
	v13 =	vmul.u32 $0x6667, v6;
	[tilespmem:s19+$0x0] =	vst v5;
	v10 =	vmov v6  }
0xe0: {  	s29 =	sadd.s32 $0x1F40, s28;
	s11 =	sand.u32 $0x70, s11;
	s13 =	sor.u32 s13, s14;
	v5 =	vld.idx.msk [tilespmem:v3+s4+$0x0], $0xffff;
	v6 =	vmul.u32 $0x6667, v8;
	v11 =	vmov v8  }
.Ltmp4:
0xe1: {  	s14 =	sand.u32 $0xFFFFFF00, s29;
	v3 =	vld [tilespmem:s13+$0x2780];
	v8 =	vshra.s32 v13, $0x1A;
	v7 =	vmov v9;
	(pc) =	sbr.rel @p0 .LBB2_10-.Ltmp4, $4  }
0xe2: {  	s11 =	sor.u32 s11, s14;
	v9 =	vmul.u32 $0x1FFF600, v8;
	v8 =	vshll.u32 v8, $0x5;
	v13 =	vshra.s32 v6, $0x1A  }
0xe3: {  	v12 =	vor.u32 v12, v2;
	v6 =	vld [tilespmem:s11+$0x2800];
	v14 =	vmul.u32 $0x1FFF600, v13;
	v2 =	vmov v8  }
0xe4: {  	v12 =	vor.u32 v4, v12;
	v8 =	vld [tilespmem:s13+$0x2800];
	v10 =	vadd.s32 v10, v9  }
0xe5: {  	s28 =	sadd.s32 $0x40, s28;
	v9 =	vld [tilespmem:s11+$0x2780];
	v4 =	vshll.u32 v10, $0x7;
	v11 =	vadd.s32 v11, v14;
	v10 =	vshll.u32 v13, $0x5;
	[tilespmem:s19+$0xFFFFFFF0] =	vst v12  }
0xe6: {  	_ =	sdelay $0x4  }
0xe7: {  	v7 =	vld.idx.msk [tilespmem:v7+s4+$0x0], $0xffff  }
0xe8: {  	v13 =	vmul.u32 $0x6667, v8  }
0xe9: {  	v3 =	vld.idx.msk [tilespmem:v3+s4+$0x0], $0xffff;
	v12 =	vmul.u32 $0x6667, v6  }
0xea: {  	v11 =	vshll.u32 v11, $0x7;
	v5 =	vor.u32 v5, v10;
	v9 =	vld.idx.msk [tilespmem:v9+s4+$0x0], $0xffff;
	v13 =	vshra.s32 v13, $0x1A  }
0xeb: {  	v5 =	vor.u32 v11, v5;
	v12 =	vshra.s32 v12, $0x1A;
	v14 =	vmul.u32 $0x1FFF600, v13  }
0xec: {  	v10 =	vmul.u32 $0x1FFF600, v12;
	v11 =	vshll.u32 v12, $0x5;
	v2 =	vor.u32 v7, v2  }
0xed: {  	s11 =	sadd.s32 $0x20, s19;
	v2 =	vor.u32 v4, v2;
	v7 =	vadd.s32 v8, v14;
	v8 =	vshll.u32 v13, $0x5  }
0xee: {  	[tilespmem:s11+$0x0] =	vst v5;
	v6 =	vadd.s32 v6, v10;
	v4 =	vshll.u32 v7, $0x7;
	v3 =	vor.u32 v3, v8  }
0xef: {  	[tilespmem:s11+$0xFFFFFFF0] =	vst v2;
	s11 =	sadd.s32 $0x20, s11;
	v5 =	vshll.u32 v6, $0x7;
	v2 =	vor.u32 v4, v3;
	v3 =	vor.u32 v9, v11  }
0xf0: {  	[tilespmem:s11+$0x0] =	vst v2;
	v2 =	vor.u32 v5, v3  }
0xf1: {  	[tilespmem:s11+$0xFFFFFFF0] =	vst v2  }
0xf2: {  	s11 =	rddreg [dreg:$0xd]  }
0xf3: {  	v2 =	vld [tilespmem:s11+$0x2780]  }
0xf4: {  	s19 =	rddreg [dreg:$0xf]  }
0xf5: {  	v3 =	vld [tilespmem:s19+$0x80];
	_ =	sdelay $0x4  }
0xf6: {  	v4 =	vmul.u32 $0x6667, v3  }
0xf7: {  	v2 =	vld.idx.msk [tilespmem:v2+s4+$0x0], $0xffff  }
0xf8: {  	v4 =	vshra.s32 v4, $0x1A  }
0xf9: {  	v5 =	vmul.u32 $0x1FFF600, v4;
	_ =	sdelay $0x1  }
0xfa: {  	v4 =	vshll.u32 v4, $0x5;
	v3 =	vadd.s32 v3, v5  }
0xfb: {  	v3 =	vshll.u32 v3, $0x7;
	v2 =	vor.u32 v2, v4  }
0xfc: {  	s26 =	sadd.s32 $0xFFFFFFE0, s21;
	v2 =	vor.u32 v3, v2  }
0xfd: {  	s14 =	sadd.s32 $0x2F00, s22;
	s29 =	sadd.s32 $0x2EE0, s22;
	s13 =	sadd.s32 $0x17A0, s26;
	[tilespmem:$0x7F40] =	vst v2  }
0xfe: {  	[spmem:s3] =	stream.indirect.scatter.add.f32 [tilespmem:s9], [sflag:$0x3], $0x1, s8, s7, $0xb8;
	[tilespmem:$0x13F80] =	vst v63  }
0xff: {  	s14 =	sand.u32 $0xFFFFFF00, s14;
	s13 =	sand.u32 $0x70, s13;
	_ =	swait.ge [sflag:s12], $0x7D0  }
0x100: {  	s13 =	sor.u32 s13, s14;
	s11 =	sadd.s32 $0x1790, s26;
	[sflag:s12] =	ssyncset.done $0x0  }
0x101: {  	s26 =	sand.u32 $0xFFFFFF00, s29;
	s11 =	sand.u32 $0x70, s11;
	[sflag:s12] =	ssyncadd.s32 $0xFFFFF830  }
0x102: {  	s11 =	sor.u32 s11, s26;
	v2 =	vld [tilespmem:s13+$0x2780]  }
0x103: {  	s29 =	sadd.s32 $0x0, s21;
	v3 =	vld [tilespmem:s11+$0x2800]  }
0x104: {  	s19 =	sadd.s32 $0x2F00, s16;
	s14 =	sadd.s32 $0x17A0, s29;
	v5 =	vld [tilespmem:s11+$0x2780]  }
0x105: {  	v4 =	vld [tilespmem:s13+$0x2800];
	s11 =	sand.u32 $0x70, s14;
	s14 =	sand.u32 $0xFFFFFF00, s19  }
0x106: {  	s26 =	sadd.s32 $0x2EE0, s16;
	s13 =	sadd.s32 $0x1790, s29;
	s11 =	sor.u32 s11, s14  }
0x107: {  	s29 =	sand.u32 $0xFFFFFF00, s26;
	s13 =	sand.u32 $0x70, s13;
	v6 =	vld [tilespmem:s11+$0x2780]  }
0x108: {  	s13 =	sor.u32 s13, s29  }
0x109: {  	v9 =	vld [tilespmem:s13+$0x2800];
	v7 =	vmul.u32 $0x6667, v3  }
0x10a: {  	v10 =	vld [tilespmem:s11+$0x2800];
	v8 =	vmul.u32 $0x6667, v4  }
0x10b: {  	v7 =	vshra.s32 v7, $0x1A;
	v2 =	vld.idx.msk [tilespmem:v2+s4+$0x0], $0xffff  }
0x10c: {  	s19 =	sadd.s32 $0x20, s21;
	v8 =	vshra.s32 v8, $0x1A;
	v11 =	vmul.u32 $0x1FFF600, v7;
	v61 =	vld.idx.msk [tilespmem:v5+s4+$0x0], $0xffff  }
0x10d: {  	s26 =	sadd.s32 $0x17A0, s19;
	s29 =	sadd.s32 $0x2F00, s24;
	v60 =	vmul.u32 $0x1FFF600, v8;
	v62 =	vshll.u32 v7, $0x5;
	v7 =	vld [tilespmem:s13+$0x2780]  }
0x10e: {  	s11 =	sadd.s32 $0x1790, s19;
	s14 =	sand.u32 $0x70, s26;
	s19 =	sand.u32 $0xFFFFFF00, s29;
	v3 =	vadd.s32 v3, v11;
	v11 =	vmul.u32 $0x6667, v9  }
0x10f: {  	s26 =	sadd.s32 $0x2EE0, s24;
	s13 =	sor.u32 s14, s19;
	v5 =	vld.idx.msk [tilespmem:v6+s4+$0x0], $0xffff;
	v15 =	vshll.u32 v3, $0x7;
	v3 =	vadd.s32 v4, v60;
	v4 =	vmul.u32 $0x6667, v10  }
0x110: {  	s11 =	sand.u32 $0x70, s11;
	s29 =	sand.u32 $0xFFFFFF00, s26;
	v8 =	vshll.u32 v8, $0x5;
	v12 =	vshll.u32 v3, $0x7;
	v11 =	vshra.s32 v11, $0x1A;
	v3 =	vld [tilespmem:s13+$0x2780]  }
0x111: {  	s11 =	sor.u32 s11, s29;
	v2 =	vor.u32 v2, v8;
	v16 =	vmul.u32 $0x1FFF600, v11;
	v17 =	vshra.s32 v4, $0x1A  }
0x112: {  	s19 =	simm.s32 $0x7F90;
	v6 =	vld [tilespmem:s11+$0x2800];
	v4 =	vor.u32 v61, v62;
	v2 =	vor.u32 v12, v2;
	v63 =	vmul.u32 $0x1FFF600, v17  }
0x113: {  	v8 =	vld [tilespmem:s13+$0x2800];
	v13 =	vor.u32 v15, v4;
	[tilespmem:s19+$0x0] =	vst v2;
	v2 =	vshll.u32 v11, $0x5;
	v11 =	vadd.s32 v9, v16  }
0x114: {  	s28 =	sadd.s32 $0x40, s24;
	s26 =	simm.s32 $0x40;
	v9 =	vld [tilespmem:s11+$0x2780];
	[tilespmem:s19+$0xFFFFFFF0] =	vst v13;
	v4 =	vshll.u32 v11, $0x7;
	v11 =	vadd.s32 v10, v63;
	v10 =	vshll.u32 v17, $0x5  }
.LBB2_12:
0x115: {  	s11 =	sadd.s32 s26, s21;
	s26 =	sadd.s32 $0x20, s26;
	v12 =	vld.idx.msk [tilespmem:v7+s4+$0x0], $0xffff;
	v7 =	vshll.u32 v11, $0x7;
	v5 =	vor.u32 v5, v10;
	s19 =	sadd.s32 $0x20, s19  }
0x116: {  	s14 =	sadd.s32 $0x2F00, s28;
	s13 =	sadd.s32 $0x17A0, s11;
	p0 =	slt.u32 s26, $0x7A0;
	v5 =	vor.u32 v7, v5  }
0x117: {  	s11 =	sadd.s32 $0x1790, s11;
	s14 =	sand.u32 $0xFFFFFF00, s14;
	s13 =	sand.u32 $0x70, s13;
	v13 =	vmul.u32 $0x6667, v6;
	[tilespmem:s19+$0x0] =	vst v5;
	v10 =	vmov v6  }
0x118: {  	s29 =	sadd.s32 $0x2EE0, s28;
	s11 =	sand.u32 $0x70, s11;
	s13 =	sor.u32 s13, s14;
	v5 =	vld.idx.msk [tilespmem:v3+s4+$0x0], $0xffff;
	v6 =	vmul.u32 $0x6667, v8;
	v11 =	vmov v8  }
.Ltmp5:
0x119: {  	s14 =	sand.u32 $0xFFFFFF00, s29;
	v3 =	vld [tilespmem:s13+$0x2780];
	v8 =	vshra.s32 v13, $0x1A;
	v7 =	vmov v9;
	(pc) =	sbr.rel @p0 .LBB2_12-.Ltmp5, $4  }
0x11a: {  	s11 =	sor.u32 s11, s14;
	v9 =	vmul.u32 $0x1FFF600, v8;
	v8 =	vshll.u32 v8, $0x5;
	v13 =	vshra.s32 v6, $0x1A  }
0x11b: {  	v12 =	vor.u32 v12, v2;
	v6 =	vld [tilespmem:s11+$0x2800];
	v14 =	vmul.u32 $0x1FFF600, v13;
	v2 =	vmov v8  }
0x11c: {  	v12 =	vor.u32 v4, v12;
	v8 =	vld [tilespmem:s13+$0x2800];
	v10 =	vadd.s32 v10, v9  }
0x11d: {  	s28 =	sadd.s32 $0x40, s28;
	v9 =	vld [tilespmem:s11+$0x2780];
	v4 =	vshll.u32 v10, $0x7;
	v11 =	vadd.s32 v11, v14;
	v10 =	vshll.u32 v13, $0x5;
	[tilespmem:s19+$0xFFFFFFF0] =	vst v12  }
0x11e: {  	_ =	sdelay $0x4  }
0x11f: {  	v7 =	vld.idx.msk [tilespmem:v7+s4+$0x0], $0xffff  }
0x120: {  	v13 =	vmul.u32 $0x6667, v8  }
0x121: {  	v3 =	vld.idx.msk [tilespmem:v3+s4+$0x0], $0xffff;
	v12 =	vmul.u32 $0x6667, v6  }
0x122: {  	v11 =	vshll.u32 v11, $0x7;
	v5 =	vor.u32 v5, v10;
	v9 =	vld.idx.msk [tilespmem:v9+s4+$0x0], $0xffff;
	v13 =	vshra.s32 v13, $0x1A  }
0x123: {  	v5 =	vor.u32 v11, v5;
	v12 =	vshra.s32 v12, $0x1A;
	v14 =	vmul.u32 $0x1FFF600, v13  }
0x124: {  	v10 =	vmul.u32 $0x1FFF600, v12;
	v11 =	vshll.u32 v12, $0x5;
	v2 =	vor.u32 v7, v2  }
0x125: {  	s11 =	sadd.s32 $0x20, s19;
	v2 =	vor.u32 v4, v2;
	v7 =	vadd.s32 v8, v14;
	v8 =	vshll.u32 v13, $0x5  }
0x126: {  	[tilespmem:s11+$0x0] =	vst v5;
	v6 =	vadd.s32 v6, v10;
	v4 =	vshll.u32 v7, $0x7;
	v3 =	vor.u32 v3, v8  }
0x127: {  	[tilespmem:s11+$0xFFFFFFF0] =	vst v2;
	s11 =	sadd.s32 $0x20, s11;
	v5 =	vshll.u32 v6, $0x7;
	v2 =	vor.u32 v4, v3;
	v3 =	vor.u32 v9, v11  }
0x128: {  	[tilespmem:s11+$0x0] =	vst v2;
	v2 =	vor.u32 v5, v3  }
0x129: {  	[tilespmem:s11+$0xFFFFFFF0] =	vst v2  }
0x12a: {  	v2 =	vld [tilespmem:s15+$0x2780]  }
0x12b: {  	s11 =	rddreg [dreg:$0x10]  }
0x12c: {  	v3 =	vld [tilespmem:s11+$0x80];
	_ =	sdelay $0x4  }
0x12d: {  	v4 =	vmul.u32 $0x6667, v3  }
0x12e: {  	v2 =	vld.idx.msk [tilespmem:v2+s4+$0x0], $0xffff  }
0x12f: {  	v4 =	vshra.s32 v4, $0x1A  }
0x130: {  	v5 =	vmul.u32 $0x1FFF600, v4;
	_ =	sdelay $0x1  }
0x131: {  	v4 =	vshll.u32 v4, $0x5;
	v3 =	vadd.s32 v3, v5  }
0x132: {  	v3 =	vshll.u32 v3, $0x7;
	v2 =	vor.u32 v2, v4  }
0x133: {  	s19 =	simm.s32 $0x7F80;
	s26 =	sadd.s32 $0xFFFFFFE0, s21;
	v2 =	vor.u32 v3, v2  }
0x134: {  	s14 =	sadd.s32 $0x3EA0, s22;
	s28 =	sadd.s32 $0x3E80, s22;
	s13 =	sadd.s32 $0x1F70, s26;
	[tilespmem:$0x8740] =	vst v2  }
0x135: {  	[spmem:s3] =	stream.indirect.scatter.add.f32 [tilespmem:s9], [sflag:$0x3], $0x1, s19, s7, $0xb8;
	[tilespmem:$0x13F80] =	vst v63  }
0x136: {  	s14 =	sand.u32 $0xFFFFFF00, s14;
	s29 =	sand.u32 $0xFFFFFF00, s28;
	_ =	swait.ge [sflag:s12], $0x7D0  }
0x137: {  	s13 =	sand.u32 $0x70, s13;
	s11 =	sadd.s32 $0x1F60, s26;
	[sflag:s12] =	ssyncset.done $0x0  }
0x138: {  	s13 =	sor.u32 s13, s14;
	s11 =	sand.u32 $0x70, s11;
	[sflag:s12] =	ssyncadd.s32 $0xFFFFF830  }
0x139: {  	s11 =	sor.u32 s11, s29;
	v2 =	vld [tilespmem:s13+$0x2780]  }
0x13a: {  	s19 =	sadd.s32 $0x0, s21;
	v3 =	vld [tilespmem:s11+$0x2800]  }
0x13b: {  	s28 =	sadd.s32 $0x3EA0, s16;
	s26 =	sadd.s32 $0x1F70, s19;
	v5 =	vld [tilespmem:s11+$0x2780]  }
0x13c: {  	s14 =	sand.u32 $0xFFFFFF00, s28;
	v4 =	vld [tilespmem:s13+$0x2800];
	s11 =	sand.u32 $0x70, s26  }
0x13d: {  	s29 =	sadd.s32 $0x3E80, s16;
	s13 =	sadd.s32 $0x1F60, s19;
	s11 =	sor.u32 s11, s14  }
0x13e: {  	s19 =	sand.u32 $0xFFFFFF00, s29;
	s13 =	sand.u32 $0x70, s13;
	v6 =	vld [tilespmem:s11+$0x2780]  }
0x13f: {  	s13 =	sor.u32 s13, s19  }
0x140: {  	v9 =	vld [tilespmem:s13+$0x2800];
	v7 =	vmul.u32 $0x6667, v3  }
0x141: {  	v10 =	vld [tilespmem:s11+$0x2800];
	v8 =	vmul.u32 $0x6667, v4  }
0x142: {  	v7 =	vshra.s32 v7, $0x1A;
	v2 =	vld.idx.msk [tilespmem:v2+s4+$0x0], $0xffff  }
0x143: {  	s26 =	sadd.s32 $0x20, s21;
	v8 =	vshra.s32 v8, $0x1A;
	v11 =	vmul.u32 $0x1FFF600, v7;
	v61 =	vld.idx.msk [tilespmem:v5+s4+$0x0], $0xffff  }
0x144: {  	s29 =	sadd.s32 $0x3EA0, s24;
	s28 =	sadd.s32 $0x1F70, s26;
	v60 =	vmul.u32 $0x1FFF600, v8;
	v62 =	vshll.u32 v7, $0x5;
	v7 =	vld [tilespmem:s13+$0x2780]  }
0x145: {  	s11 =	sadd.s32 $0x1F60, s26;
	s19 =	sand.u32 $0x70, s28;
	s26 =	sand.u32 $0xFFFFFF00, s29;
	v3 =	vadd.s32 v3, v11;
	v11 =	vmul.u32 $0x6667, v9  }
0x146: {  	s28 =	sadd.s32 $0x3E80, s24;
	s13 =	sor.u32 s19, s26;
	v5 =	vld.idx.msk [tilespmem:v6+s4+$0x0], $0xffff;
	v15 =	vshll.u32 v3, $0x7;
	v3 =	vadd.s32 v4, v60;
	v4 =	vmul.u32 $0x6667, v10  }
0x147: {  	s11 =	sand.u32 $0x70, s11;
	s29 =	sand.u32 $0xFFFFFF00, s28;
	v8 =	vshll.u32 v8, $0x5;
	v12 =	vshll.u32 v3, $0x7;
	v11 =	vshra.s32 v11, $0x1A;
	v3 =	vld [tilespmem:s13+$0x2780]  }
0x148: {  	s11 =	sor.u32 s11, s29;
	v2 =	vor.u32 v2, v8;
	v16 =	vmul.u32 $0x1FFF600, v11;
	v17 =	vshra.s32 v4, $0x1A  }
0x149: {  	s16 =	simm.s32 $0x7790;
	v6 =	vld [tilespmem:s11+$0x2800];
	v4 =	vor.u32 v61, v62;
	v2 =	vor.u32 v12, v2;
	v63 =	vmul.u32 $0x1FFF600, v17  }
0x14a: {  	v8 =	vld [tilespmem:s13+$0x2800];
	v13 =	vor.u32 v15, v4;
	[tilespmem:s16+$0x0] =	vst v2;
	v2 =	vshll.u32 v11, $0x5;
	v11 =	vadd.s32 v9, v16  }
0x14b: {  	s24 =	sadd.s32 $0x40, s24;
	s19 =	simm.s32 $0x40;
	v9 =	vld [tilespmem:s11+$0x2780];
	[tilespmem:s16+$0xFFFFFFF0] =	vst v13;
	v4 =	vshll.u32 v11, $0x7;
	v11 =	vadd.s32 v10, v63;
	v10 =	vshll.u32 v17, $0x5  }
.LBB2_14:
0x14c: {  	s11 =	sadd.s32 s19, s21;
	s19 =	sadd.s32 $0x20, s19;
	v12 =	vld.idx.msk [tilespmem:v7+s4+$0x0], $0xffff;
	v7 =	vshll.u32 v11, $0x7;
	v5 =	vor.u32 v5, v10;
	s16 =	sadd.s32 $0x20, s16  }
0x14d: {  	s14 =	sadd.s32 $0x3EA0, s24;
	s13 =	sadd.s32 $0x1F70, s11;
	p0 =	slt.u32 s19, $0x7A0;
	v5 =	vor.u32 v7, v5  }
0x14e: {  	s11 =	sadd.s32 $0x1F60, s11;
	s14 =	sand.u32 $0xFFFFFF00, s14;
	s13 =	sand.u32 $0x70, s13;
	v13 =	vmul.u32 $0x6667, v6;
	[tilespmem:s16+$0x0] =	vst v5;
	v10 =	vmov v6  }
0x14f: {  	s26 =	sadd.s32 $0x3E80, s24;
	s11 =	sand.u32 $0x70, s11;
	s13 =	sor.u32 s13, s14;
	v5 =	vld.idx.msk [tilespmem:v3+s4+$0x0], $0xffff;
	v6 =	vmul.u32 $0x6667, v8;
	v11 =	vmov v8  }
.Ltmp6:
0x150: {  	s14 =	sand.u32 $0xFFFFFF00, s26;
	v3 =	vld [tilespmem:s13+$0x2780];
	v8 =	vshra.s32 v13, $0x1A;
	v7 =	vmov v9;
	(pc) =	sbr.rel @p0 .LBB2_14-.Ltmp6, $4  }
0x151: {  	s11 =	sor.u32 s11, s14;
	v9 =	vmul.u32 $0x1FFF600, v8;
	v8 =	vshll.u32 v8, $0x5;
	v13 =	vshra.s32 v6, $0x1A  }
0x152: {  	v12 =	vor.u32 v12, v2;
	v6 =	vld [tilespmem:s11+$0x2800];
	v14 =	vmul.u32 $0x1FFF600, v13;
	v2 =	vmov v8  }
0x153: {  	v12 =	vor.u32 v4, v12;
	v8 =	vld [tilespmem:s13+$0x2800];
	v10 =	vadd.s32 v10, v9  }
0x154: {  	s24 =	sadd.s32 $0x40, s24;
	v9 =	vld [tilespmem:s11+$0x2780];
	v4 =	vshll.u32 v10, $0x7;
	v11 =	vadd.s32 v11, v14;
	v10 =	vshll.u32 v13, $0x5;
	[tilespmem:s16+$0xFFFFFFF0] =	vst v12  }
0x155: {  	_ =	sdelay $0x4  }
0x156: {  	v7 =	vld.idx.msk [tilespmem:v7+s4+$0x0], $0xffff  }
0x157: {  	v13 =	vmul.u32 $0x6667, v8  }
0x158: {  	v3 =	vld.idx.msk [tilespmem:v3+s4+$0x0], $0xffff;
	v12 =	vmul.u32 $0x6667, v6  }
0x159: {  	v11 =	vshll.u32 v11, $0x7;
	v5 =	vor.u32 v5, v10;
	v9 =	vld.idx.msk [tilespmem:v9+s4+$0x0], $0xffff;
	v13 =	vshra.s32 v13, $0x1A  }
0x15a: {  	v5 =	vor.u32 v11, v5;
	v12 =	vshra.s32 v12, $0x1A;
	v14 =	vmul.u32 $0x1FFF600, v13  }
0x15b: {  	v55 =	vmul.u32 $0x1FFF600, v12;
	v2 =	vor.u32 v7, v2;
	v56 =	vshll.u32 v12, $0x5  }
0x15c: {  	s11 =	sadd.s32 $0x20, s16;
	v59 =	vshll.u32 v13, $0x5;
	v2 =	vor.u32 v4, v2;
	v58 =	vadd.s32 v8, v14  }
0x15d: {  	[tilespmem:s11+$0x0] =	vst v5;
	v57 =	vadd.s32 v6, v55;
	v3 =	vor.u32 v3, v59;
	v60 =	vshll.u32 v58, $0x7  }
0x15e: {  	[tilespmem:s11+$0xFFFFFFF0] =	vst v2;
	s11 =	sadd.s32 $0x20, s11;
	v61 =	vshll.u32 v57, $0x7;
	v2 =	vor.u32 v60, v3;
	v3 =	vor.u32 v9, v56  }
0x15f: {  	[tilespmem:s11+$0x0] =	vst v2;
	v2 =	vor.u32 v61, v3  }
0x160: {  	[tilespmem:s11+$0xFFFFFFF0] =	vst v2  }
0x161: {  	v2 =	vld [tilespmem:s17+$0x7580];
	_ =	sdelay $0x1  }
0x162: {  	v3 =	vld [tilespmem:s17+$0x7600];
	_ =	sdelay $0x4  }
0x163: {  	v62 =	vmul.u32 $0x6667, v3  }
0x164: {  	v2 =	vld.idx.msk [tilespmem:v2+s4+$0x0], $0xffff  }
0x165: {  	v4 =	vshra.s32 v62, $0x1A  }
0x166: {  	v63 =	vmul.u32 $0x1FFF600, v4;
	_ =	sdelay $0x1  }
0x167: {  	v4 =	vshll.u32 v4, $0x5;
	v3 =	vadd.s32 v3, v63  }
0x168: {  	v3 =	vshll.u32 v3, $0x7;
	v2 =	vor.u32 v2, v4  }
0x169: {  	v2 =	vor.u32 v3, v2  }
0x16a: {  	[tilespmem:$0x7F40] =	vst v2  }
0x16b: {  	[spmem:s3] =	stream.indirect.scatter.add.f32 [tilespmem:s9], [sflag:$0x3], $0x1, s8, s7, $0xb8;
	[tilespmem:$0x13F80] =	vst v63  }
0x16c: {  	_ =	swait.ge [sflag:s12], $0x7D0  }
0x16d: {  	[sflag:s12] =	ssyncset.done $0x0  }
0x16e: {  	[sflag:s12] =	ssyncadd.s32 $0xFFFFF830  }
0x16f: {  	_ =	swait.ge [sflag:s12], $0x7D0  }
0x170: {  	[sflag:s12] =	ssyncset.done $0x0  }
0x171: {  	[sflag:s12] =	ssyncadd.s32 $0xFFFFF830  }
0x172: {  	s16 =	simm.s32 $0x9F80;
	[bflag:$0x0] =	sbarrier.arrive $0xFFFF  }
0x173: {  	[tilespmem:s16], [sflag:$0x2] =	stream.linear.gather [spmem:s6], $0x1400, $0x38;
	[tilespmem:$0x13F80] =	vst v63  }
0x174: {  	_ =	swait.ge [sflag:s5], $0x1400  }
0x175: {  	[sflag:s5] =	ssyncset.done $0x0  }
0x176: {  	[sflag:s5] =	ssyncadd.s32 $0xFFFFEC00  }
0x177: {  	[hbm4b:s20+s4] =	stream.linear.scatter [tilespmem:s16], [sflag:$0x3], $0x1400, $0x38;
	[tilespmem:$0x13F80] =	vst v63  }
0x178: {  	s13 =	simm.s32 $0xB380;
	s19 =	rddreg [dreg:$0x12]  }
0x179: {  	[tilespmem:s13], [sflag:$0x2] =	stream.linear.gather [spmem:s19], $0x1400, $0x38;
	[tilespmem:$0x13F80] =	vst v63  }
0x17a: {  	_ =	swait.ge [sflag:s5], $0x1400  }
0x17b: {  	[sflag:s5] =	ssyncset.done $0x0  }
0x17c: {  	s24 =	rddreg [dreg:$0x13];
	[sflag:s5] =	ssyncadd.s32 $0xFFFFEC00  }
0x17d: {  	[hbm4b:s24+s4] =	stream.linear.scatter [tilespmem:s13], [sflag:$0x3], $0x1400, $0x38;
	[tilespmem:$0x13F80] =	vst v63  }
0x17e: {  	s28 =	simm.s32 $0xC780;
	s26 =	rddreg [dreg:$0x14]  }
0x17f: {  	[tilespmem:s28], [sflag:$0x2] =	stream.linear.gather [spmem:s26], $0x1400, $0x38;
	[tilespmem:$0x13F80] =	vst v63  }
0x180: {  	_ =	swait.ge [sflag:s5], $0x1400  }
0x181: {  	[sflag:s5] =	ssyncset.done $0x0  }
0x182: {  	[sflag:s5] =	ssyncadd.s32 $0xFFFFEC00  }
0x183: {  	[hbm4b:s30+s4] =	stream.linear.scatter [tilespmem:s28], [sflag:$0x3], $0x1400, $0x38;
	[tilespmem:$0x13F80] =	vst v63  }
0x184: {  	_ = 	snop  }
0x185: {  	[tilespmem:s10], [sflag:$0x2] =	stream.linear.gather [spmem:s31], $0x1400, $0x38;
	[tilespmem:$0x13F80] =	vst v63  }
0x186: {  	_ =	swait.ge [sflag:s5], $0x1400  }
0x187: {  	[sflag:s5] =	ssyncset.done $0x0  }
0x188: {  	[sflag:s5] =	ssyncadd.s32 $0xFFFFEC00  }
0x189: {  	[hbm4b:s2+s4] =	stream.linear.scatter [tilespmem:s10], [sflag:$0x3], $0x1400, $0x38;
	[tilespmem:$0x13F80] =	vst v63  }
0x18a: {  	_ =	swait.ge [sflag:s12], $0x1400  }
0x18b: {  	[sflag:s12] =	ssyncset.done $0x0  }
0x18c: {  	[sflag:s12] =	ssyncadd.s32 $0xFFFFEC00  }
0x18d: {  	_ =	swait.ge [sflag:s12], $0x1400  }
0x18e: {  	[sflag:s12] =	ssyncset.done $0x0  }
0x18f: {  	[sflag:s12] =	ssyncadd.s32 $0xFFFFEC00  }
0x190: {  	_ =	swait.ge [sflag:s12], $0x1400  }
0x191: {  	[sflag:s12] =	ssyncset.done $0x0  }
0x192: {  	[sflag:s12] =	ssyncadd.s32 $0xFFFFEC00  }
0x193: {  	_ =	swait.ge [sflag:s12], $0x1400  }
0x194: {  	s23 =	sadd.s32 $0x1, s23;
	s29 =	rddreg [dreg:$0x11]  }
0x195: {  	p0 =	sne.s32 s23, s29  }
.Ltmp7:
0x196: {  	_ = 	snop;
	(pc) =	sbr.rel @p0 .LBB2_1-.Ltmp7, $3  }
0x197: {  	_ =	sdelay $0x1  }
0x198: {  	[sflag:s12] =	ssyncset.done $0x0  }
0x199: {  	[sflag:s12] =	ssyncadd.s32 $0xFFFFEC00  }
0x19a: {  	_ =	sfence.sel $0x180000  }
0x19b: {  	[bflag:$0x0] =	sbarrier.arrive $0xFFFF  }
0x19c: {  	_ =	strace $0x90000047  }
0x19d: {  	s0 =	stileid.u32;
	[bflag:$0x2] =	sbarrier.arrive $0xFFFF  }
0x19e: {  	p0 =	sne.s32 s0, $0x0;
	s0 =	rddreg [dreg:$0x4]  }
0x19f: {  	s0 =	sadd.s32 @!p0 $0x100000, s0  }
0x1a0: {  	[sflag:s0] =	ssyncadd.tile.s32 @!p0 $0x1;
	_ =	shalt  }
.Lfunc_end2:
_tile_overlayer_lowered:
.L_overlay_start_2:
0x1a1: {  	(tag) =	ssettag $0x2  }
0x1a2: {  	s0 =	rddreg [dreg:$0x0];
	s2 =	stileid.u32  }
0x1a3: {  	s1 =	rddreg [dreg:$0x1];
	p0 =	sne.s32 s2, $0x0  }
0x1a4: {  	s3 =	rddreg [dreg:$0x2];
	[bflag:$0x3] =	sbarrier.arrive $0xFFFF;
	s2 =	simm.s32 @!p0 $0x1C04  }
0x1a5: {  	[timem:s3], [sflag:s2] =	dma.local @!p0 [hbm:s0], s1  }
0x1a6: {  	s0 =	simm.s32 @!p0 $0x4  }
0x1a7: {  	_ =	swait.ge @!p0 [sflag:s0], s1  }
0x1a8: {  	s1 =	ssub.s32 @!p0 $0x0, s1;
	[sflag:s0] =	ssyncset.done @!p0 $0x0  }
0x1a9: {  	[sflag:s0] =	ssyncadd.s32 @!p0 s1  }
0x1aa: {  	[bflag:$0x3] =	sbarrier.arrive $0xFFFF  }
0x1ab: {  	_ =	shalt  }

</sc_bundles>
